<compile_context>
chip_gen: v7x
topology: tpu7x:2x2x1
jax: 0.10.2.dev20260603
libtpu: 0.0.44.dev20260713+nightly
codegen_flags: <defaults>
</compile_context>

<pallas_src>
import functools

import jax
import jax.numpy as jnp
import numpy as np
from jax import lax
from jax.experimental import pallas as pl
from jax.experimental.pallas import tpu as pltpu
from jax.experimental.pallas import tpu_sc as plsc

ROWS, COLS = 16384, 1000
COLS_PAD = 1024
NCH = COLS_PAD // 128
BLOCK_R = 512
NBLK = ROWS // BLOCK_R
STRIPS = BLOCK_R // 8
TOTAL = float(ROWS * COLS)
NWORK = 32
PER_W = ROWS // NWORK

_THR = tuple(float(np.float32(np.log(i / (10.0 - i)))) for i in range(1, 10))
_NEG = -1e30


def _gather_t(x_flat, flat_idx):
    mesh = plsc.VectorSubcoreMesh(core_axis_name="c", subcore_axis_name="s")

    @functools.partial(
        pl.kernel, mesh=mesh,
        out_type=jax.ShapeDtypeStruct((ROWS,), jnp.float32),
        scratch_types=[
            pltpu.VMEM((128,), jnp.int32),
            pltpu.VMEM((128,), jnp.float32),
            pltpu.SemaphoreType.DMA,
        ],
    )
    def gk(x_hbm, idx_hbm, out_hbm, idx_v, val_v, sem):
        wid = lax.axis_index("s") * 2 + lax.axis_index("c")
        base = wid * PER_W
        for j in range(PER_W // 128):
            off = base + j * 128
            pltpu.sync_copy(idx_hbm.at[pl.ds(off, 128)], idx_v)
            pltpu.async_copy(x_hbm.at[idx_v], val_v, sem).wait()
            pltpu.sync_copy(val_v, out_hbm.at[pl.ds(off, 128)])

    return gk(x_flat, flat_idx)


def _main_kernel(x_ref, t_ref, o_ref, d_ref, cnt_ref):
    pid = pl.program_id(0)
    lane_full = jax.lax.broadcasted_iota(jnp.int32, (BLOCK_R, COLS_PAD), 1)
    xm = jnp.where(lane_full >= COLS, _NEG, x_ref[...])
    ex = jnp.exp(xm)

    lane16 = jax.lax.broadcasted_iota(jnp.int32, (1, 16), 1)
    cvec = jnp.zeros((1, 16), jnp.float32)
    cols = [jnp.sum(ex, axis=1, keepdims=True)]
    for k, thr in enumerate(_THR):
        m = xm >= thr
        cols.append(jnp.sum(jnp.where(m, ex, 0.0), axis=1, keepdims=True))
        cvec = jnp.where(lane16 == k, jnp.sum(m.astype(jnp.float32)), cvec)
    cols.append(jnp.zeros((BLOCK_R, 6), jnp.float32))
    dblk = jnp.concatenate(cols, axis=1)
    d_ref[0:16, pl.ds(pid * BLOCK_R, BLOCK_R)] = dblk.T

    @pl.when(pid == 0)
    def _init():
        cnt_ref[...] = cvec

    @pl.when(pid != 0)
    def _acc():
        cnt_ref[...] += cvec

    @pl.when(pid == NBLK - 1)
    def _finalize():
        t = t_ref[...]
        nt = -t
        svec = cnt_ref[...]
        cor = jnp.zeros((1, 16), jnp.float32)
        for k, thr in enumerate(_THR):
            d = (jnp.sum(jnp.where(nt >= thr, 1.0, 0.0)) -
                 jnp.sum(jnp.where(t >= thr, 1.0, 0.0)))
            cor = jnp.where(lane16 == k, d, cor)
        sv = svec + cor
        sl = [sv[:, k:k + 1] for k in range(9)]
        cent = ([jnp.full((1, 1), TOTAL, jnp.float32) - sl[0]] +
                [sl[k - 1] - sl[k] for k in range(1, 9)] + [sl[8]])
        c_sub = jnp.concatenate(cent, axis=0)
        cbt = jnp.zeros((1, ROWS), jnp.float32) + cent[0]
        cbx = jnp.zeros((1, ROWS), jnp.float32) + cent[0]
        for k, thr in enumerate(_THR):
            cbt = jnp.where(nt >= thr, cent[k + 1], cbt)
            cbx = jnp.where(t >= thr, cent[k + 1], cbx)
        D = d_ref[0:10, :]
        dnext = jnp.concatenate(
            [D[1:10, :], jnp.zeros((1, ROWS), jnp.float32)], axis=0)
        e_bins = D - dnext
        rec = 1.0 / cbt
        w = jnp.minimum(c_sub * rec, 1.0)
        ssum = jnp.sum(w * e_bins, axis=0, keepdims=True)
        ssum = ssum + jnp.exp(t) * (1.0 - jnp.minimum(cbx * rec, 1.0))
        o_ref[0, 0] = jnp.sum(jnp.log(ssum) - t) / np.float32(ROWS)


def kernel(x, target):
    tgt = target.astype(jnp.int32)
    flat_idx = jnp.arange(ROWS, dtype=jnp.int32) * COLS + tgt
    t = _gather_t(x.reshape(-1), flat_idx)
    t2 = t.reshape(1, ROWS)

    loss = pl.pallas_call(
        _main_kernel,
        grid=(NBLK,),
        in_specs=[
            pl.BlockSpec((BLOCK_R, COLS_PAD), lambda i: (i, 0)),
            pl.BlockSpec((1, ROWS), lambda i: (0, 0)),
        ],
        out_specs=pl.BlockSpec((1, 1), lambda i: (0, 0),
                               memory_space=pltpu.SMEM),
        out_shape=jax.ShapeDtypeStruct((1, 1), jnp.float32),
        scratch_shapes=[
            pltpu.VMEM((16, ROWS), jnp.float32),
            pltpu.VMEM((1, 16), jnp.float32),
        ],
    )(x, t2)

    return loss[0, 0]

# --- scband reference (transcript-rebuilt; emitter-appended) ---
"""Pipeline reference for scband-seesaw-ghmc-38671885533689 (READ-ONLY COPY).

The authoritative reference and input builder live on the scoring server;
editing this copy changes nothing except your own understanding.
"""

import jax, jax.numpy as jnp
import numpy as np

BINS = 10


def setup_inputs(seed: int = 0) -> dict:
    key = jax.random.key(seed)
    k1, k2 = jax.random.split(key)
    x = jax.random.normal(k1, (16384, 1000), dtype=jnp.float32)
    target = jax.random.randint(k2, (16384,), 0, 1000)
    return {"x": x, "target": target}


def reference(x, target):
    bins = BINS
    edges = jnp.arange(bins + 1, dtype=jnp.float32) / bins
    edges = edges.at[-1].add(1e-06)
    num_classes = x.shape[1]
    target_onehot = jax.nn.one_hot(target, num_classes, dtype=jnp.float32)
    # g is computed on detached (stop_gradient) sigmoid, as in torch .detach()
    g = jnp.abs(jax.nn.sigmoid(jax.lax.stop_gradient(x)) - target_onehot)
    weights = jnp.zeros_like(x)
    tot = 1.0
    n = jnp.array(0.0, dtype=jnp.float32)
    for i in range(bins):
        inds = (g >= edges[i]) & (g < edges[i + 1])
        num_in_bin = jnp.sum(inds).astype(jnp.float32)
        has = num_in_bin > 0
        w_val = tot / jnp.maximum(num_in_bin, 1.0)
        weights = jnp.where(inds & has, w_val, weights)
        n = n + has.astype(jnp.float32)
    weights = jnp.where(n > 0, weights / jnp.maximum(n, 1.0), weights)
    weights = weights / tot
    row = jnp.sum(weights * target_onehot, axis=1, keepdims=True)
    weights = 1.0 / (weights / row)
    weights = jnp.where(weights > 1.0, 1.0, weights)
    weighted_x = x + jnp.log(weights)
    softmax_x = jax.nn.softmax(weighted_x, axis=1)
    loss = -jnp.sum(target_onehot * jnp.log(softmax_x)) / x.shape[0]
    return loss

if __name__ == "__main__":
    import jax
    _d = setup_inputs()
    print(jax.jit(kernel)(*tuple(_d.values())))

</pallas_src>

<mosaic_0001>
#map = affine_map<(d0, d1) -> (0)>
module attributes {stable_mosaic.version = 14 : i64} {
  func.func @gk(%arg0: i32, %arg1: i32, %arg2: memref<16384000xf32, #tpu.memory_space<hbm>>, %arg3: memref<16384xi32, #tpu.memory_space<hbm>>, %arg4: memref<16384xf32, #tpu.memory_space<hbm>>, %arg5: memref<128xi32, #tpu.memory_space<vmem>>, %arg6: memref<128xf32, #tpu.memory_space<vmem>>, %arg7: memref<!tpu.dma_semaphore, #tpu.memory_space<semaphore_mem>>) attributes {dimension_semantics = [#tpu.dimension_semantics<core_parallel>, #tpu.dimension_semantics<subcore_parallel>], iteration_bounds = array<i64: 2, 16>, scalar_prefetch = 0 : i64, scratch_operands = 3 : i64, tpu.core_type = #tpu.core_type<sc_vector_subcore>, window_params = [{transform_indices = #map}, {transform_indices = #map}, {transform_indices = #map}]} {
    %mul3A = arith.constant 2 : i32
    %mul3A_0 = arith.muli %arg1, %mul3A : i32
    %add3A = arith.addi %mul3A_0, %arg0 : i32
    %mul3A_1 = arith.constant 512 : i32
    %mul3A_2 = arith.muli %add3A, %mul3A_1 : i32
    %add3A_3 = arith.constant 0 : i32
    %add3A_4 = arith.addi %mul3A_2, %add3A_3 : i32
    "tpu.region"() ({
      %run_scoped3A = tpu.sem_alloc : memref<!tpu.dma_semaphore, #tpu.memory_space<semaphore_mem>>
      %dma_start3A_25 = tpu.memref_slice %arg3[%add3A_4] : memref<16384xi32, #tpu.memory_space<hbm>> -> memref<128xi32, #tpu.memory_space<hbm>>
      %dma_start3A_26 = tpu.memref_slice %arg3[%add3A_4] : memref<16384xi32, #tpu.memory_space<hbm>> -> memref<128xi32, #tpu.memory_space<hbm>>
      tpu.enqueue_dma source(%dma_start3A_26 : memref<128xi32, #tpu.memory_space<hbm>>) target(%arg5 : memref<128xi32, #tpu.memory_space<vmem>>) target_semaphore(%run_scoped3A : memref<!tpu.dma_semaphore, #tpu.memory_space<semaphore_mem>>)
      %dma_wait3A_27 = tpu.memref_slice %arg3[%add3A_4] : memref<16384xi32, #tpu.memory_space<hbm>> -> memref<128xi32, #tpu.memory_space<hbm>>
      %dma_wait3A_28 = tpu.memref_slice %arg3[%add3A_4] : memref<16384xi32, #tpu.memory_space<hbm>> -> memref<128xi32, #tpu.memory_space<hbm>>
      tpu.wait_dma2 semaphore(%run_scoped3A : memref<!tpu.dma_semaphore, #tpu.memory_space<semaphore_mem>>) src(%dma_wait3A_28 : memref<128xi32, #tpu.memory_space<hbm>>) dst(%arg5 : memref<128xi32, #tpu.memory_space<vmem>>)
      tpu.yield
    }) : () -> ()
    %dma_start3A = arith.constant 0 : i32
    %dma_start3A_5 = tpu.memref_slice %arg2[%dma_start3A] : memref<16384000xf32, #tpu.memory_space<hbm>> -> memref<16384000xf32, #tpu.memory_space<hbm>>
    tpu.enqueue_indirect_dma source(%dma_start3A_5 : memref<16384000xf32, #tpu.memory_space<hbm>>) target(%arg6 : memref<128xf32, #tpu.memory_space<vmem>>) offsets(%arg5 : memref<128xi32, #tpu.memory_space<vmem>>) semaphore(%arg7 : memref<!tpu.dma_semaphore, #tpu.memory_space<semaphore_mem>>)
    %dma_wait3A = arith.constant 0 : i32
    %dma_wait3A_6 = tpu.memref_slice %arg2[%dma_wait3A] : memref<16384000xf32, #tpu.memory_space<hbm>> -> memref<16384000xf32, #tpu.memory_space<hbm>>
    tpu.wait_indirect_dma semaphore(%arg7 : memref<!tpu.dma_semaphore, #tpu.memory_space<semaphore_mem>>) src(%dma_wait3A_6 : memref<16384000xf32, #tpu.memory_space<hbm>>) dst(%arg6 : memref<128xf32, #tpu.memory_space<vmem>>)
    "tpu.region"() ({
      %run_scoped3A = tpu.sem_alloc : memref<!tpu.dma_semaphore, #tpu.memory_space<semaphore_mem>>
      %dma_start3A_25 = tpu.memref_slice %arg4[%add3A_4] : memref<16384xf32, #tpu.memory_space<hbm>> -> memref<128xf32, #tpu.memory_space<hbm>>
      %dma_start3A_26 = tpu.memref_slice %arg4[%add3A_4] : memref<16384xf32, #tpu.memory_space<hbm>> -> memref<128xf32, #tpu.memory_space<hbm>>
      tpu.enqueue_dma source(%arg6 : memref<128xf32, #tpu.memory_space<vmem>>) target(%dma_start3A_26 : memref<128xf32, #tpu.memory_space<hbm>>) target_semaphore(%run_scoped3A : memref<!tpu.dma_semaphore, #tpu.memory_space<semaphore_mem>>)
      %dma_wait3A_27 = tpu.memref_slice %arg4[%add3A_4] : memref<16384xf32, #tpu.memory_space<hbm>> -> memref<128xf32, #tpu.memory_space<hbm>>
      %dma_wait3A_28 = tpu.memref_slice %arg4[%add3A_4] : memref<16384xf32, #tpu.memory_space<hbm>> -> memref<128xf32, #tpu.memory_space<hbm>>
      tpu.wait_dma2 semaphore(%run_scoped3A : memref<!tpu.dma_semaphore, #tpu.memory_space<semaphore_mem>>) src(%arg6 : memref<128xf32, #tpu.memory_space<vmem>>) dst(%dma_wait3A_28 : memref<128xf32, #tpu.memory_space<hbm>>)
      tpu.yield
    }) : () -> ()
    %add3A_7 = arith.constant 128 : i32
    %add3A_8 = arith.addi %mul3A_2, %add3A_7 : i32
    "tpu.region"() ({
      %run_scoped3A = tpu.sem_alloc : memref<!tpu.dma_semaphore, #tpu.memory_space<semaphore_mem>>
      %dma_start3A_25 = tpu.memref_slice %arg3[%add3A_8] : memref<16384xi32, #tpu.memory_space<hbm>> -> memref<128xi32, #tpu.memory_space<hbm>>
      %dma_start3A_26 = tpu.memref_slice %arg3[%add3A_8] : memref<16384xi32, #tpu.memory_space<hbm>> -> memref<128xi32, #tpu.memory_space<hbm>>
      tpu.enqueue_dma source(%dma_start3A_26 : memref<128xi32, #tpu.memory_space<hbm>>) target(%arg5 : memref<128xi32, #tpu.memory_space<vmem>>) target_semaphore(%run_scoped3A : memref<!tpu.dma_semaphore, #tpu.memory_space<semaphore_mem>>)
      %dma_wait3A_27 = tpu.memref_slice %arg3[%add3A_8] : memref<16384xi32, #tpu.memory_space<hbm>> -> memref<128xi32, #tpu.memory_space<hbm>>
      %dma_wait3A_28 = tpu.memref_slice %arg3[%add3A_8] : memref<16384xi32, #tpu.memory_space<hbm>> -> memref<128xi32, #tpu.memory_space<hbm>>
      tpu.wait_dma2 semaphore(%run_scoped3A : memref<!tpu.dma_semaphore, #tpu.memory_space<semaphore_mem>>) src(%dma_wait3A_28 : memref<128xi32, #tpu.memory_space<hbm>>) dst(%arg5 : memref<128xi32, #tpu.memory_space<vmem>>)
      tpu.yield
    }) : () -> ()
    %dma_start3A_9 = arith.constant 0 : i32
    %dma_start3A_10 = tpu.memref_slice %arg2[%dma_start3A_9] : memref<16384000xf32, #tpu.memory_space<hbm>> -> memref<16384000xf32, #tpu.memory_space<hbm>>
    tpu.enqueue_indirect_dma source(%dma_start3A_10 : memref<16384000xf32, #tpu.memory_space<hbm>>) target(%arg6 : memref<128xf32, #tpu.memory_space<vmem>>) offsets(%arg5 : memref<128xi32, #tpu.memory_space<vmem>>) semaphore(%arg7 : memref<!tpu.dma_semaphore, #tpu.memory_space<semaphore_mem>>)
    %dma_wait3A_11 = arith.constant 0 : i32
    %dma_wait3A_12 = tpu.memref_slice %arg2[%dma_wait3A_11] : memref<16384000xf32, #tpu.memory_space<hbm>> -> memref<16384000xf32, #tpu.memory_space<hbm>>
    tpu.wait_indirect_dma semaphore(%arg7 : memref<!tpu.dma_semaphore, #tpu.memory_space<semaphore_mem>>) src(%dma_wait3A_12 : memref<16384000xf32, #tpu.memory_space<hbm>>) dst(%arg6 : memref<128xf32, #tpu.memory_space<vmem>>)
    "tpu.region"() ({
      %run_scoped3A = tpu.sem_alloc : memref<!tpu.dma_semaphore, #tpu.memory_space<semaphore_mem>>
      %dma_start3A_25 = tpu.memref_slice %arg4[%add3A_8] : memref<16384xf32, #tpu.memory_space<hbm>> -> memref<128xf32, #tpu.memory_space<hbm>>
      %dma_start3A_26 = tpu.memref_slice %arg4[%add3A_8] : memref<16384xf32, #tpu.memory_space<hbm>> -> memref<128xf32, #tpu.memory_space<hbm>>
      tpu.enqueue_dma source(%arg6 : memref<128xf32, #tpu.memory_space<vmem>>) target(%dma_start3A_26 : memref<128xf32, #tpu.memory_space<hbm>>) target_semaphore(%run_scoped3A : memref<!tpu.dma_semaphore, #tpu.memory_space<semaphore_mem>>)
      %dma_wait3A_27 = tpu.memref_slice %arg4[%add3A_8] : memref<16384xf32, #tpu.memory_space<hbm>> -> memref<128xf32, #tpu.memory_space<hbm>>
      %dma_wait3A_28 = tpu.memref_slice %arg4[%add3A_8] : memref<16384xf32, #tpu.memory_space<hbm>> -> memref<128xf32, #tpu.memory_space<hbm>>
      tpu.wait_dma2 semaphore(%run_scoped3A : memref<!tpu.dma_semaphore, #tpu.memory_space<semaphore_mem>>) src(%arg6 : memref<128xf32, #tpu.memory_space<vmem>>) dst(%dma_wait3A_28 : memref<128xf32, #tpu.memory_space<hbm>>)
      tpu.yield
    }) : () -> ()
    %add3A_13 = arith.constant 256 : i32
    %add3A_14 = arith.addi %mul3A_2, %add3A_13 : i32
    "tpu.region"() ({
      %run_scoped3A = tpu.sem_alloc : memref<!tpu.dma_semaphore, #tpu.memory_space<semaphore_mem>>
      %dma_start3A_25 = tpu.memref_slice %arg3[%add3A_14] : memref<16384xi32, #tpu.memory_space<hbm>> -> memref<128xi32, #tpu.memory_space<hbm>>
      %dma_start3A_26 = tpu.memref_slice %arg3[%add3A_14] : memref<16384xi32, #tpu.memory_space<hbm>> -> memref<128xi32, #tpu.memory_space<hbm>>
      tpu.enqueue_dma source(%dma_start3A_26 : memref<128xi32, #tpu.memory_space<hbm>>) target(%arg5 : memref<128xi32, #tpu.memory_space<vmem>>) target_semaphore(%run_scoped3A : memref<!tpu.dma_semaphore, #tpu.memory_space<semaphore_mem>>)
      %dma_wait3A_27 = tpu.memref_slice %arg3[%add3A_14] : memref<16384xi32, #tpu.memory_space<hbm>> -> memref<128xi32, #tpu.memory_space<hbm>>
      %dma_wait3A_28 = tpu.memref_slice %arg3[%add3A_14] : memref<16384xi32, #tpu.memory_space<hbm>> -> memref<128xi32, #tpu.memory_space<hbm>>
      tpu.wait_dma2 semaphore(%run_scoped3A : memref<!tpu.dma_semaphore, #tpu.memory_space<semaphore_mem>>) src(%dma_wait3A_28 : memref<128xi32, #tpu.memory_space<hbm>>) dst(%arg5 : memref<128xi32, #tpu.memory_space<vmem>>)
      tpu.yield
    }) : () -> ()
    %dma_start3A_15 = arith.constant 0 : i32
    %dma_start3A_16 = tpu.memref_slice %arg2[%dma_start3A_15] : memref<16384000xf32, #tpu.memory_space<hbm>> -> memref<16384000xf32, #tpu.memory_space<hbm>>
    tpu.enqueue_indirect_dma source(%dma_start3A_16 : memref<16384000xf32, #tpu.memory_space<hbm>>) target(%arg6 : memref<128xf32, #tpu.memory_space<vmem>>) offsets(%arg5 : memref<128xi32, #tpu.memory_space<vmem>>) semaphore(%arg7 : memref<!tpu.dma_semaphore, #tpu.memory_space<semaphore_mem>>)
    %dma_wait3A_17 = arith.constant 0 : i32
    %dma_wait3A_18 = tpu.memref_slice %arg2[%dma_wait3A_17] : memref<16384000xf32, #tpu.memory_space<hbm>> -> memref<16384000xf32, #tpu.memory_space<hbm>>
    tpu.wait_indirect_dma semaphore(%arg7 : memref<!tpu.dma_semaphore, #tpu.memory_space<semaphore_mem>>) src(%dma_wait3A_18 : memref<16384000xf32, #tpu.memory_space<hbm>>) dst(%arg6 : memref<128xf32, #tpu.memory_space<vmem>>)
    "tpu.region"() ({
      %run_scoped3A = tpu.sem_alloc : memref<!tpu.dma_semaphore, #tpu.memory_space<semaphore_mem>>
      %dma_start3A_25 = tpu.memref_slice %arg4[%add3A_14] : memref<16384xf32, #tpu.memory_space<hbm>> -> memref<128xf32, #tpu.memory_space<hbm>>
      %dma_start3A_26 = tpu.memref_slice %arg4[%add3A_14] : memref<16384xf32, #tpu.memory_space<hbm>> -> memref<128xf32, #tpu.memory_space<hbm>>
      tpu.enqueue_dma source(%arg6 : memref<128xf32, #tpu.memory_space<vmem>>) target(%dma_start3A_26 : memref<128xf32, #tpu.memory_space<hbm>>) target_semaphore(%run_scoped3A : memref<!tpu.dma_semaphore, #tpu.memory_space<semaphore_mem>>)
      %dma_wait3A_27 = tpu.memref_slice %arg4[%add3A_14] : memref<16384xf32, #tpu.memory_space<hbm>> -> memref<128xf32, #tpu.memory_space<hbm>>
      %dma_wait3A_28 = tpu.memref_slice %arg4[%add3A_14] : memref<16384xf32, #tpu.memory_space<hbm>> -> memref<128xf32, #tpu.memory_space<hbm>>
      tpu.wait_dma2 semaphore(%run_scoped3A : memref<!tpu.dma_semaphore, #tpu.memory_space<semaphore_mem>>) src(%arg6 : memref<128xf32, #tpu.memory_space<vmem>>) dst(%dma_wait3A_28 : memref<128xf32, #tpu.memory_space<hbm>>)
      tpu.yield
    }) : () -> ()
    %add3A_19 = arith.constant 384 : i32
    %add3A_20 = arith.addi %mul3A_2, %add3A_19 : i32
    "tpu.region"() ({
      %run_scoped3A = tpu.sem_alloc : memref<!tpu.dma_semaphore, #tpu.memory_space<semaphore_mem>>
      %dma_start3A_25 = tpu.memref_slice %arg3[%add3A_20] : memref<16384xi32, #tpu.memory_space<hbm>> -> memref<128xi32, #tpu.memory_space<hbm>>
      %dma_start3A_26 = tpu.memref_slice %arg3[%add3A_20] : memref<16384xi32, #tpu.memory_space<hbm>> -> memref<128xi32, #tpu.memory_space<hbm>>
      tpu.enqueue_dma source(%dma_start3A_26 : memref<128xi32, #tpu.memory_space<hbm>>) target(%arg5 : memref<128xi32, #tpu.memory_space<vmem>>) target_semaphore(%run_scoped3A : memref<!tpu.dma_semaphore, #tpu.memory_space<semaphore_mem>>)
      %dma_wait3A_27 = tpu.memref_slice %arg3[%add3A_20] : memref<16384xi32, #tpu.memory_space<hbm>> -> memref<128xi32, #tpu.memory_space<hbm>>
      %dma_wait3A_28 = tpu.memref_slice %arg3[%add3A_20] : memref<16384xi32, #tpu.memory_space<hbm>> -> memref<128xi32, #tpu.memory_space<hbm>>
      tpu.wait_dma2 semaphore(%run_scoped3A : memref<!tpu.dma_semaphore, #tpu.memory_space<semaphore_mem>>) src(%dma_wait3A_28 : memref<128xi32, #tpu.memory_space<hbm>>) dst(%arg5 : memref<128xi32, #tpu.memory_space<vmem>>)
      tpu.yield
    }) : () -> ()
    %dma_start3A_21 = arith.constant 0 : i32
    %dma_start3A_22 = tpu.memref_slice %arg2[%dma_start3A_21] : memref<16384000xf32, #tpu.memory_space<hbm>> -> memref<16384000xf32, #tpu.memory_space<hbm>>
    tpu.enqueue_indirect_dma source(%dma_start3A_22 : memref<16384000xf32, #tpu.memory_space<hbm>>) target(%arg6 : memref<128xf32, #tpu.memory_space<vmem>>) offsets(%arg5 : memref<128xi32, #tpu.memory_space<vmem>>) semaphore(%arg7 : memref<!tpu.dma_semaphore, #tpu.memory_space<semaphore_mem>>)
    %dma_wait3A_23 = arith.constant 0 : i32
    %dma_wait3A_24 = tpu.memref_slice %arg2[%dma_wait3A_23] : memref<16384000xf32, #tpu.memory_space<hbm>> -> memref<16384000xf32, #tpu.memory_space<hbm>>
    tpu.wait_indirect_dma semaphore(%arg7 : memref<!tpu.dma_semaphore, #tpu.memory_space<semaphore_mem>>) src(%dma_wait3A_24 : memref<16384000xf32, #tpu.memory_space<hbm>>) dst(%arg6 : memref<128xf32, #tpu.memory_space<vmem>>)
    "tpu.region"() ({
      %run_scoped3A = tpu.sem_alloc : memref<!tpu.dma_semaphore, #tpu.memory_space<semaphore_mem>>
      %dma_start3A_25 = tpu.memref_slice %arg4[%add3A_20] : memref<16384xf32, #tpu.memory_space<hbm>> -> memref<128xf32, #tpu.memory_space<hbm>>
      %dma_start3A_26 = tpu.memref_slice %arg4[%add3A_20] : memref<16384xf32, #tpu.memory_space<hbm>> -> memref<128xf32, #tpu.memory_space<hbm>>
      tpu.enqueue_dma source(%arg6 : memref<128xf32, #tpu.memory_space<vmem>>) target(%dma_start3A_26 : memref<128xf32, #tpu.memory_space<hbm>>) target_semaphore(%run_scoped3A : memref<!tpu.dma_semaphore, #tpu.memory_space<semaphore_mem>>)
      %dma_wait3A_27 = tpu.memref_slice %arg4[%add3A_20] : memref<16384xf32, #tpu.memory_space<hbm>> -> memref<128xf32, #tpu.memory_space<hbm>>
      %dma_wait3A_28 = tpu.memref_slice %arg4[%add3A_20] : memref<16384xf32, #tpu.memory_space<hbm>> -> memref<128xf32, #tpu.memory_space<hbm>>
      tpu.wait_dma2 semaphore(%run_scoped3A : memref<!tpu.dma_semaphore, #tpu.memory_space<semaphore_mem>>) src(%arg6 : memref<128xf32, #tpu.memory_space<vmem>>) dst(%dma_wait3A_28 : memref<128xf32, #tpu.memory_space<hbm>>)
      tpu.yield
    }) : () -> ()
    return
  }
}

module attributes {stable_mosaic.version = 14 : i64} {
  func.func @_main_kernel(%arg0: i32, %arg1: memref<512x1024xf32, #tpu.memory_space<vmem>>, %arg2: memref<1x16384xf32, #tpu.memory_space<vmem>>, %arg3: memref<1x1xf32, #tpu.memory_space<smem>>, %arg4: memref<16x16384xf32, #tpu.memory_space<vmem>>, %arg5: memref<1x16xf32, #tpu.memory_space<vmem>>) attributes {dimension_semantics = [#tpu.dimension_semantics<arbitrary>], iteration_bounds = array<i64: 32>, scalar_prefetch = 0 : i64, scratch_operands = 2 : i64, tpu.core_type = #tpu.core_type<tc>, window_params = [{transform_indices = @transform_0, window_bounds = array<i64: 512, 1024>}, {pipeline_mode = #tpu.pipeline_mode<synchronous>, transform_indices = @transform_1, window_bounds = array<i64: 1, 16384>}, {transform_indices = @transform_2, window_bounds = array<i64: 1, 1>}]} {
    %iota3A = tpu.iota {dimensions = array<i32: 1>} : vector<512x1024xi32>
    %ge3A = arith.constant 1000 : i32
    %ge3A_0 = vector.broadcast %ge3A : i32 to vector<512x1024xi32>
    %ge3A_1 = arith.cmpi sge, %iota3A, %ge3A_0 : vector<512x1024xi32>
    %get3A = arith.constant 0 : index
    %get3A_2 = arith.constant 0 : index
    %get3A_3 = vector.load %arg1[%get3A, %get3A_2] : memref<512x1024xf32, #tpu.memory_space<vmem>>, vector<512x1024xf32>
    %jit3A = arith.constant -1.000000e+30 : f32
    %broadcast_in_dim3A = vector.broadcast %jit3A : f32 to vector<512x1024xf32>
    %select_n3A = arith.select %ge3A_1, %broadcast_in_dim3A, %get3A_3 : vector<512x1024xi1>, vector<512x1024xf32>
    %exp3A = math.exp %select_n3A : vector<512x1024xf32>
    %iota3A_4 = tpu.iota {dimensions = array<i32: 1>} : vector<1x16xi32>
    %broadcast_in_dim3A_5 = arith.constant 0.000000e+00 : f32
    %broadcast_in_dim3A_6 = vector.broadcast %broadcast_in_dim3A_5 : f32 to vector<1x16xf32>
    %reduce_sum3A = arith.constant dense<0.000000e+00> : vector<512xf32>
    %reduce_sum3A_7 = vector.multi_reduction <add>, %exp3A, %reduce_sum3A [1] : vector<512x1024xf32> to vector<512xf32>
    %broadcast_in_dim3A_8 = vector.shape_cast %reduce_sum3A_7 : vector<512xf32> to vector<512x1xf32>
    %ge3A_9 = arith.constant -2.19722462 : f32
    %ge3A_10 = vector.broadcast %ge3A_9 : f32 to vector<512x1024xf32>
    %ge3A_11 = arith.cmpf oge, %select_n3A, %ge3A_10 : vector<512x1024xf32>
    %jit3A_12 = arith.constant 0.000000e+00 : f32
    %broadcast_in_dim3A_13 = vector.broadcast %jit3A_12 : f32 to vector<512x1024xf32>
    %select_n3A_14 = arith.select %ge3A_11, %exp3A, %broadcast_in_dim3A_13 : vector<512x1024xi1>, vector<512x1024xf32>
    %reduce_sum3A_15 = arith.constant dense<0.000000e+00> : vector<512xf32>
    %reduce_sum3A_16 = vector.multi_reduction <add>, %select_n3A_14, %reduce_sum3A_15 [1] : vector<512x1024xf32> to vector<512xf32>
    %broadcast_in_dim3A_17 = vector.shape_cast %reduce_sum3A_16 : vector<512xf32> to vector<512x1xf32>
    %eq3A = arith.constant 0 : i32
    %eq3A_18 = vector.broadcast %eq3A : i32 to vector<1x16xi32>
    %eq3A_19 = arith.cmpi eq, %iota3A_4, %eq3A_18 : vector<1x16xi32>
    %convert_element_type3A = arith.extui %ge3A_11 : vector<512x1024xi1> to vector<512x1024xi32>
    %convert_element_type3A_20 = arith.sitofp %convert_element_type3A : vector<512x1024xi32> to vector<512x1024xf32>
    %reduce_sum3A_21 = vector.shape_cast %convert_element_type3A_20 : vector<512x1024xf32> to vector<1x512x1024xf32>
    %reduce_sum3A_22 = arith.constant dense<0.000000e+00> : vector<1xf32>
    %reduce_sum3A_23 = vector.multi_reduction <add>, %reduce_sum3A_21, %reduce_sum3A_22 [1, 2] : vector<1x512x1024xf32> to vector<1xf32>
    %reduce_sum3A_24 = vector.shape_cast %reduce_sum3A_23 : vector<1xf32> to vector<1x1x1xf32>
    %reduce_sum3A_25 = vector.extract %reduce_sum3A_24[0, 0, 0] : f32 from vector<1x1x1xf32>
    %broadcast_in_dim3A_26 = vector.broadcast %reduce_sum3A_25 : f32 to vector<1x16xf32>
    %select_n3A_27 = arith.select %eq3A_19, %broadcast_in_dim3A_26, %broadcast_in_dim3A_6 : vector<1x16xi1>, vector<1x16xf32>
    %ge3A_28 = arith.constant -1.38629436 : f32
    %ge3A_29 = vector.broadcast %ge3A_28 : f32 to vector<512x1024xf32>
    %ge3A_30 = arith.cmpf oge, %select_n3A, %ge3A_29 : vector<512x1024xf32>
    %jit3A_31 = arith.constant 0.000000e+00 : f32
    %broadcast_in_dim3A_32 = vector.broadcast %jit3A_31 : f32 to vector<512x1024xf32>
    %select_n3A_33 = arith.select %ge3A_30, %exp3A, %broadcast_in_dim3A_32 : vector<512x1024xi1>, vector<512x1024xf32>
    %reduce_sum3A_34 = arith.constant dense<0.000000e+00> : vector<512xf32>
    %reduce_sum3A_35 = vector.multi_reduction <add>, %select_n3A_33, %reduce_sum3A_34 [1] : vector<512x1024xf32> to vector<512xf32>
    %broadcast_in_dim3A_36 = vector.shape_cast %reduce_sum3A_35 : vector<512xf32> to vector<512x1xf32>
    %eq3A_37 = arith.constant 1 : i32
    %eq3A_38 = vector.broadcast %eq3A_37 : i32 to vector<1x16xi32>
    %eq3A_39 = arith.cmpi eq, %iota3A_4, %eq3A_38 : vector<1x16xi32>
    %convert_element_type3A_40 = arith.extui %ge3A_30 : vector<512x1024xi1> to vector<512x1024xi32>
    %convert_element_type3A_41 = arith.sitofp %convert_element_type3A_40 : vector<512x1024xi32> to vector<512x1024xf32>
    %reduce_sum3A_42 = vector.shape_cast %convert_element_type3A_41 : vector<512x1024xf32> to vector<1x512x1024xf32>
    %reduce_sum3A_43 = arith.constant dense<0.000000e+00> : vector<1xf32>
    %reduce_sum3A_44 = vector.multi_reduction <add>, %reduce_sum3A_42, %reduce_sum3A_43 [1, 2] : vector<1x512x1024xf32> to vector<1xf32>
    %reduce_sum3A_45 = vector.shape_cast %reduce_sum3A_44 : vector<1xf32> to vector<1x1x1xf32>
    %reduce_sum3A_46 = vector.extract %reduce_sum3A_45[0, 0, 0] : f32 from vector<1x1x1xf32>
    %broadcast_in_dim3A_47 = vector.broadcast %reduce_sum3A_46 : f32 to vector<1x16xf32>
    %select_n3A_48 = arith.select %eq3A_39, %broadcast_in_dim3A_47, %select_n3A_27 : vector<1x16xi1>, vector<1x16xf32>
    %ge3A_49 = arith.constant -0.847297847 : f32
    %ge3A_50 = vector.broadcast %ge3A_49 : f32 to vector<512x1024xf32>
    %ge3A_51 = arith.cmpf oge, %select_n3A, %ge3A_50 : vector<512x1024xf32>
    %jit3A_52 = arith.constant 0.000000e+00 : f32
    %broadcast_in_dim3A_53 = vector.broadcast %jit3A_52 : f32 to vector<512x1024xf32>
    %select_n3A_54 = arith.select %ge3A_51, %exp3A, %broadcast_in_dim3A_53 : vector<512x1024xi1>, vector<512x1024xf32>
    %reduce_sum3A_55 = arith.constant dense<0.000000e+00> : vector<512xf32>
    %reduce_sum3A_56 = vector.multi_reduction <add>, %select_n3A_54, %reduce_sum3A_55 [1] : vector<512x1024xf32> to vector<512xf32>
    %broadcast_in_dim3A_57 = vector.shape_cast %reduce_sum3A_56 : vector<512xf32> to vector<512x1xf32>
    %eq3A_58 = arith.constant 2 : i32
    %eq3A_59 = vector.broadcast %eq3A_58 : i32 to vector<1x16xi32>
    %eq3A_60 = arith.cmpi eq, %iota3A_4, %eq3A_59 : vector<1x16xi32>
    %convert_element_type3A_61 = arith.extui %ge3A_51 : vector<512x1024xi1> to vector<512x1024xi32>
    %convert_element_type3A_62 = arith.sitofp %convert_element_type3A_61 : vector<512x1024xi32> to vector<512x1024xf32>
    %reduce_sum3A_63 = vector.shape_cast %convert_element_type3A_62 : vector<512x1024xf32> to vector<1x512x1024xf32>
    %reduce_sum3A_64 = arith.constant dense<0.000000e+00> : vector<1xf32>
    %reduce_sum3A_65 = vector.multi_reduction <add>, %reduce_sum3A_63, %reduce_sum3A_64 [1, 2] : vector<1x512x1024xf32> to vector<1xf32>
    %reduce_sum3A_66 = vector.shape_cast %reduce_sum3A_65 : vector<1xf32> to vector<1x1x1xf32>
    %reduce_sum3A_67 = vector.extract %reduce_sum3A_66[0, 0, 0] : f32 from vector<1x1x1xf32>
    %broadcast_in_dim3A_68 = vector.broadcast %reduce_sum3A_67 : f32 to vector<1x16xf32>
    %select_n3A_69 = arith.select %eq3A_60, %broadcast_in_dim3A_68, %select_n3A_48 : vector<1x16xi1>, vector<1x16xf32>
    %ge3A_70 = arith.constant -0.405465096 : f32
    %ge3A_71 = vector.broadcast %ge3A_70 : f32 to vector<512x1024xf32>
    %ge3A_72 = arith.cmpf oge, %select_n3A, %ge3A_71 : vector<512x1024xf32>
    %jit3A_73 = arith.constant 0.000000e+00 : f32
    %broadcast_in_dim3A_74 = vector.broadcast %jit3A_73 : f32 to vector<512x1024xf32>
    %select_n3A_75 = arith.select %ge3A_72, %exp3A, %broadcast_in_dim3A_74 : vector<512x1024xi1>, vector<512x1024xf32>
    %reduce_sum3A_76 = arith.constant dense<0.000000e+00> : vector<512xf32>
    %reduce_sum3A_77 = vector.multi_reduction <add>, %select_n3A_75, %reduce_sum3A_76 [1] : vector<512x1024xf32> to vector<512xf32>
    %broadcast_in_dim3A_78 = vector.shape_cast %reduce_sum3A_77 : vector<512xf32> to vector<512x1xf32>
    %eq3A_79 = arith.constant 3 : i32
    %eq3A_80 = vector.broadcast %eq3A_79 : i32 to vector<1x16xi32>
    %eq3A_81 = arith.cmpi eq, %iota3A_4, %eq3A_80 : vector<1x16xi32>
    %convert_element_type3A_82 = arith.extui %ge3A_72 : vector<512x1024xi1> to vector<512x1024xi32>
    %convert_element_type3A_83 = arith.sitofp %convert_element_type3A_82 : vector<512x1024xi32> to vector<512x1024xf32>
    %reduce_sum3A_84 = vector.shape_cast %convert_element_type3A_83 : vector<512x1024xf32> to vector<1x512x1024xf32>
    %reduce_sum3A_85 = arith.constant dense<0.000000e+00> : vector<1xf32>
    %reduce_sum3A_86 = vector.multi_reduction <add>, %reduce_sum3A_84, %reduce_sum3A_85 [1, 2] : vector<1x512x1024xf32> to vector<1xf32>
    %reduce_sum3A_87 = vector.shape_cast %reduce_sum3A_86 : vector<1xf32> to vector<1x1x1xf32>
    %reduce_sum3A_88 = vector.extract %reduce_sum3A_87[0, 0, 0] : f32 from vector<1x1x1xf32>
    %broadcast_in_dim3A_89 = vector.broadcast %reduce_sum3A_88 : f32 to vector<1x16xf32>
    %select_n3A_90 = arith.select %eq3A_81, %broadcast_in_dim3A_89, %select_n3A_69 : vector<1x16xi1>, vector<1x16xf32>
    %ge3A_91 = arith.constant 0.000000e+00 : f32
    %ge3A_92 = vector.broadcast %ge3A_91 : f32 to vector<512x1024xf32>
    %ge3A_93 = arith.cmpf oge, %select_n3A, %ge3A_92 : vector<512x1024xf32>
    %jit3A_94 = arith.constant 0.000000e+00 : f32
    %broadcast_in_dim3A_95 = vector.broadcast %jit3A_94 : f32 to vector<512x1024xf32>
    %select_n3A_96 = arith.select %ge3A_93, %exp3A, %broadcast_in_dim3A_95 : vector<512x1024xi1>, vector<512x1024xf32>
    %reduce_sum3A_97 = arith.constant dense<0.000000e+00> : vector<512xf32>
    %reduce_sum3A_98 = vector.multi_reduction <add>, %select_n3A_96, %reduce_sum3A_97 [1] : vector<512x1024xf32> to vector<512xf32>
    %broadcast_in_dim3A_99 = vector.shape_cast %reduce_sum3A_98 : vector<512xf32> to vector<512x1xf32>
    %eq3A_100 = arith.constant 4 : i32
    %eq3A_101 = vector.broadcast %eq3A_100 : i32 to vector<1x16xi32>
    %eq3A_102 = arith.cmpi eq, %iota3A_4, %eq3A_101 : vector<1x16xi32>
    %convert_element_type3A_103 = arith.extui %ge3A_93 : vector<512x1024xi1> to vector<512x1024xi32>
    %convert_element_type3A_104 = arith.sitofp %convert_element_type3A_103 : vector<512x1024xi32> to vector<512x1024xf32>
    %reduce_sum3A_105 = vector.shape_cast %convert_element_type3A_104 : vector<512x1024xf32> to vector<1x512x1024xf32>
    %reduce_sum3A_106 = arith.constant dense<0.000000e+00> : vector<1xf32>
    %reduce_sum3A_107 = vector.multi_reduction <add>, %reduce_sum3A_105, %reduce_sum3A_106 [1, 2] : vector<1x512x1024xf32> to vector<1xf32>
    %reduce_sum3A_108 = vector.shape_cast %reduce_sum3A_107 : vector<1xf32> to vector<1x1x1xf32>
    %reduce_sum3A_109 = vector.extract %reduce_sum3A_108[0, 0, 0] : f32 from vector<1x1x1xf32>
    %broadcast_in_dim3A_110 = vector.broadcast %reduce_sum3A_109 : f32 to vector<1x16xf32>
    %select_n3A_111 = arith.select %eq3A_102, %broadcast_in_dim3A_110, %select_n3A_90 : vector<1x16xi1>, vector<1x16xf32>
    %ge3A_112 = arith.constant 0.405465096 : f32
    %ge3A_113 = vector.broadcast %ge3A_112 : f32 to vector<512x1024xf32>
    %ge3A_114 = arith.cmpf oge, %select_n3A, %ge3A_113 : vector<512x1024xf32>
    %jit3A_115 = arith.constant 0.000000e+00 : f32
    %broadcast_in_dim3A_116 = vector.broadcast %jit3A_115 : f32 to vector<512x1024xf32>
    %select_n3A_117 = arith.select %ge3A_114, %exp3A, %broadcast_in_dim3A_116 : vector<512x1024xi1>, vector<512x1024xf32>
    %reduce_sum3A_118 = arith.constant dense<0.000000e+00> : vector<512xf32>
    %reduce_sum3A_119 = vector.multi_reduction <add>, %select_n3A_117, %reduce_sum3A_118 [1] : vector<512x1024xf32> to vector<512xf32>
    %broadcast_in_dim3A_120 = vector.shape_cast %reduce_sum3A_119 : vector<512xf32> to vector<512x1xf32>
    %eq3A_121 = arith.constant 5 : i32
    %eq3A_122 = vector.broadcast %eq3A_121 : i32 to vector<1x16xi32>
    %eq3A_123 = arith.cmpi eq, %iota3A_4, %eq3A_122 : vector<1x16xi32>
    %convert_element_type3A_124 = arith.extui %ge3A_114 : vector<512x1024xi1> to vector<512x1024xi32>
    %convert_element_type3A_125 = arith.sitofp %convert_element_type3A_124 : vector<512x1024xi32> to vector<512x1024xf32>
    %reduce_sum3A_126 = vector.shape_cast %convert_element_type3A_125 : vector<512x1024xf32> to vector<1x512x1024xf32>
    %reduce_sum3A_127 = arith.constant dense<0.000000e+00> : vector<1xf32>
    %reduce_sum3A_128 = vector.multi_reduction <add>, %reduce_sum3A_126, %reduce_sum3A_127 [1, 2] : vector<1x512x1024xf32> to vector<1xf32>
    %reduce_sum3A_129 = vector.shape_cast %reduce_sum3A_128 : vector<1xf32> to vector<1x1x1xf32>
    %reduce_sum3A_130 = vector.extract %reduce_sum3A_129[0, 0, 0] : f32 from vector<1x1x1xf32>
    %broadcast_in_dim3A_131 = vector.broadcast %reduce_sum3A_130 : f32 to vector<1x16xf32>
    %select_n3A_132 = arith.select %eq3A_123, %broadcast_in_dim3A_131, %select_n3A_111 : vector<1x16xi1>, vector<1x16xf32>
    %ge3A_133 = arith.constant 0.847297847 : f32
    %ge3A_134 = vector.broadcast %ge3A_133 : f32 to vector<512x1024xf32>
    %ge3A_135 = arith.cmpf oge, %select_n3A, %ge3A_134 : vector<512x1024xf32>
    %jit3A_136 = arith.constant 0.000000e+00 : f32
    %broadcast_in_dim3A_137 = vector.broadcast %jit3A_136 : f32 to vector<512x1024xf32>
    %select_n3A_138 = arith.select %ge3A_135, %exp3A, %broadcast_in_dim3A_137 : vector<512x1024xi1>, vector<512x1024xf32>
    %reduce_sum3A_139 = arith.constant dense<0.000000e+00> : vector<512xf32>
    %reduce_sum3A_140 = vector.multi_reduction <add>, %select_n3A_138, %reduce_sum3A_139 [1] : vector<512x1024xf32> to vector<512xf32>
    %broadcast_in_dim3A_141 = vector.shape_cast %reduce_sum3A_140 : vector<512xf32> to vector<512x1xf32>
    %eq3A_142 = arith.constant 6 : i32
    %eq3A_143 = vector.broadcast %eq3A_142 : i32 to vector<1x16xi32>
    %eq3A_144 = arith.cmpi eq, %iota3A_4, %eq3A_143 : vector<1x16xi32>
    %convert_element_type3A_145 = arith.extui %ge3A_135 : vector<512x1024xi1> to vector<512x1024xi32>
    %convert_element_type3A_146 = arith.sitofp %convert_element_type3A_145 : vector<512x1024xi32> to vector<512x1024xf32>
    %reduce_sum3A_147 = vector.shape_cast %convert_element_type3A_146 : vector<512x1024xf32> to vector<1x512x1024xf32>
    %reduce_sum3A_148 = arith.constant dense<0.000000e+00> : vector<1xf32>
    %reduce_sum3A_149 = vector.multi_reduction <add>, %reduce_sum3A_147, %reduce_sum3A_148 [1, 2] : vector<1x512x1024xf32> to vector<1xf32>
    %reduce_sum3A_150 = vector.shape_cast %reduce_sum3A_149 : vector<1xf32> to vector<1x1x1xf32>
    %reduce_sum3A_151 = vector.extract %reduce_sum3A_150[0, 0, 0] : f32 from vector<1x1x1xf32>
    %broadcast_in_dim3A_152 = vector.broadcast %reduce_sum3A_151 : f32 to vector<1x16xf32>
    %select_n3A_153 = arith.select %eq3A_144, %broadcast_in_dim3A_152, %select_n3A_132 : vector<1x16xi1>, vector<1x16xf32>
    %ge3A_154 = arith.constant 1.38629436 : f32
    %ge3A_155 = vector.broadcast %ge3A_154 : f32 to vector<512x1024xf32>
    %ge3A_156 = arith.cmpf oge, %select_n3A, %ge3A_155 : vector<512x1024xf32>
    %jit3A_157 = arith.constant 0.000000e+00 : f32
    %broadcast_in_dim3A_158 = vector.broadcast %jit3A_157 : f32 to vector<512x1024xf32>
    %select_n3A_159 = arith.select %ge3A_156, %exp3A, %broadcast_in_dim3A_158 : vector<512x1024xi1>, vector<512x1024xf32>
    %reduce_sum3A_160 = arith.constant dense<0.000000e+00> : vector<512xf32>
    %reduce_sum3A_161 = vector.multi_reduction <add>, %select_n3A_159, %reduce_sum3A_160 [1] : vector<512x1024xf32> to vector<512xf32>
    %broadcast_in_dim3A_162 = vector.shape_cast %reduce_sum3A_161 : vector<512xf32> to vector<512x1xf32>
    %eq3A_163 = arith.constant 7 : i32
    %eq3A_164 = vector.broadcast %eq3A_163 : i32 to vector<1x16xi32>
    %eq3A_165 = arith.cmpi eq, %iota3A_4, %eq3A_164 : vector<1x16xi32>
    %convert_element_type3A_166 = arith.extui %ge3A_156 : vector<512x1024xi1> to vector<512x1024xi32>
    %convert_element_type3A_167 = arith.sitofp %convert_element_type3A_166 : vector<512x1024xi32> to vector<512x1024xf32>
    %reduce_sum3A_168 = vector.shape_cast %convert_element_type3A_167 : vector<512x1024xf32> to vector<1x512x1024xf32>
    %reduce_sum3A_169 = arith.constant dense<0.000000e+00> : vector<1xf32>
    %reduce_sum3A_170 = vector.multi_reduction <add>, %reduce_sum3A_168, %reduce_sum3A_169 [1, 2] : vector<1x512x1024xf32> to vector<1xf32>
    %reduce_sum3A_171 = vector.shape_cast %reduce_sum3A_170 : vector<1xf32> to vector<1x1x1xf32>
    %reduce_sum3A_172 = vector.extract %reduce_sum3A_171[0, 0, 0] : f32 from vector<1x1x1xf32>
    %broadcast_in_dim3A_173 = vector.broadcast %reduce_sum3A_172 : f32 to vector<1x16xf32>
    %select_n3A_174 = arith.select %eq3A_165, %broadcast_in_dim3A_173, %select_n3A_153 : vector<1x16xi1>, vector<1x16xf32>
    %ge3A_175 = arith.constant 2.19722462 : f32
    %ge3A_176 = vector.broadcast %ge3A_175 : f32 to vector<512x1024xf32>
    %ge3A_177 = arith.cmpf oge, %select_n3A, %ge3A_176 : vector<512x1024xf32>
    %jit3A_178 = arith.constant 0.000000e+00 : f32
    %broadcast_in_dim3A_179 = vector.broadcast %jit3A_178 : f32 to vector<512x1024xf32>
    %select_n3A_180 = arith.select %ge3A_177, %exp3A, %broadcast_in_dim3A_179 : vector<512x1024xi1>, vector<512x1024xf32>
    %reduce_sum3A_181 = arith.constant dense<0.000000e+00> : vector<512xf32>
    %reduce_sum3A_182 = vector.multi_reduction <add>, %select_n3A_180, %reduce_sum3A_181 [1] : vector<512x1024xf32> to vector<512xf32>
    %broadcast_in_dim3A_183 = vector.shape_cast %reduce_sum3A_182 : vector<512xf32> to vector<512x1xf32>
    %eq3A_184 = arith.constant 8 : i32
    %eq3A_185 = vector.broadcast %eq3A_184 : i32 to vector<1x16xi32>
    %eq3A_186 = arith.cmpi eq, %iota3A_4, %eq3A_185 : vector<1x16xi32>
    %convert_element_type3A_187 = arith.extui %ge3A_177 : vector<512x1024xi1> to vector<512x1024xi32>
    %convert_element_type3A_188 = arith.sitofp %convert_element_type3A_187 : vector<512x1024xi32> to vector<512x1024xf32>
    %reduce_sum3A_189 = vector.shape_cast %convert_element_type3A_188 : vector<512x1024xf32> to vector<1x512x1024xf32>
    %reduce_sum3A_190 = arith.constant dense<0.000000e+00> : vector<1xf32>
    %reduce_sum3A_191 = vector.multi_reduction <add>, %reduce_sum3A_189, %reduce_sum3A_190 [1, 2] : vector<1x512x1024xf32> to vector<1xf32>
    %reduce_sum3A_192 = vector.shape_cast %reduce_sum3A_191 : vector<1xf32> to vector<1x1x1xf32>
    %reduce_sum3A_193 = vector.extract %reduce_sum3A_192[0, 0, 0] : f32 from vector<1x1x1xf32>
    %broadcast_in_dim3A_194 = vector.broadcast %reduce_sum3A_193 : f32 to vector<1x16xf32>
    %select_n3A_195 = arith.select %eq3A_186, %broadcast_in_dim3A_194, %select_n3A_174 : vector<1x16xi1>, vector<1x16xf32>
    %broadcast_in_dim3A_196 = arith.constant 0.000000e+00 : f32
    %broadcast_in_dim3A_197 = vector.broadcast %broadcast_in_dim3A_196 : f32 to vector<512x6xf32>
    %concatenate3A = tpu.concatenate %broadcast_in_dim3A_8, %broadcast_in_dim3A_17, %broadcast_in_dim3A_36, %broadcast_in_dim3A_57, %broadcast_in_dim3A_78, %broadcast_in_dim3A_99, %broadcast_in_dim3A_120, %broadcast_in_dim3A_141, %broadcast_in_dim3A_162, %broadcast_in_dim3A_183, %broadcast_in_dim3A_197 in 1 : vector<512x1xf32>, vector<512x1xf32>, vector<512x1xf32>, vector<512x1xf32>, vector<512x1xf32>, vector<512x1xf32>, vector<512x1xf32>, vector<512x1xf32>, vector<512x1xf32>, vector<512x1xf32>, vector<512x6xf32> -> vector<512x16xf32>
    %transpose3A = tpu.transpose %concatenate3A, [1, 0] : vector<512x16xf32> -> vector<16x512xf32>
    %mul3A = arith.constant 512 : i32
    %mul3A_198 = arith.muli %arg0, %mul3A : i32
    %swap3A = arith.constant 0 : index
    %swap3A_199 = arith.index_cast %mul3A_198 : i32 to index
    %swap3A_200 = vector.load %arg4[%swap3A, %swap3A_199] : memref<16x16384xf32, #tpu.memory_space<vmem>>, vector<16x512xf32>
    tpu.vector_store %arg4[%swap3A, %swap3A_199], %transpose3A {strides = array<i32>} : memref<16x16384xf32, #tpu.memory_space<vmem>>, vector<16x512xf32>,
    %eq3A_201 = arith.constant 0 : i32
    %eq3A_202 = arith.cmpi eq, %arg0, %eq3A_201 : i32
    %convert_element_type3A_203 = arith.extui %eq3A_202 : i1 to i32
    %cond3A = arith.constant 0 : i32
    %cond3A_204 = arith.cmpi ne, %convert_element_type3A_203, %cond3A : i32
    scf.if %cond3A_204 {
      %swap3A_214 = arith.constant 0 : index
      %swap3A_215 = arith.constant 0 : index
      %swap3A_216 = vector.load %arg5[%swap3A_214, %swap3A_215] : memref<1x16xf32, #tpu.memory_space<vmem>>, vector<1x16xf32>
      tpu.vector_store %arg5[%swap3A_214, %swap3A_215], %select_n3A_195 {strides = array<i32>} : memref<1x16xf32, #tpu.memory_space<vmem>>, vector<1x16xf32>,
    } else {
    }
    %ne3A = arith.constant 0 : i32
    %ne3A_205 = arith.cmpi ne, %arg0, %ne3A : i32
    %convert_element_type3A_206 = arith.extui %ne3A_205 : i1 to i32
    %cond3A_207 = arith.constant 0 : i32
    %cond3A_208 = arith.cmpi ne, %convert_element_type3A_206, %cond3A_207 : i32
    scf.if %cond3A_208 {
      %get3A_214 = arith.constant 0 : index
      %get3A_215 = arith.constant 0 : index
      %get3A_216 = vector.load %arg5[%get3A_214, %get3A_215] : memref<1x16xf32, #tpu.memory_space<vmem>>, vector<1x16xf32>
      %add3A = arith.addf %get3A_216, %select_n3A_195 : vector<1x16xf32>
      %swap3A_217 = arith.constant 0 : index
      %swap3A_218 = arith.constant 0 : index
      %swap3A_219 = vector.load %arg5[%swap3A_217, %swap3A_218] : memref<1x16xf32, #tpu.memory_space<vmem>>, vector<1x16xf32>
      tpu.vector_store %arg5[%swap3A_217, %swap3A_218], %add3A {strides = array<i32>} : memref<1x16xf32, #tpu.memory_space<vmem>>, vector<1x16xf32>,
    } else {
    }
    %eq3A_209 = arith.constant 31 : i32
    %eq3A_210 = arith.cmpi eq, %arg0, %eq3A_209 : i32
    %convert_element_type3A_211 = arith.extui %eq3A_210 : i1 to i32
    %cond3A_212 = arith.constant 0 : i32
    %cond3A_213 = arith.cmpi ne, %convert_element_type3A_211, %cond3A_212 : i32
    scf.if %cond3A_213 {
      %get3A_214 = arith.constant 0 : index
      %get3A_215 = arith.constant 0 : index
      %get3A_216 = vector.load %arg2[%get3A_214, %get3A_215] : memref<1x16384xf32, #tpu.memory_space<vmem>>, vector<1x16384xf32>
      %neg3A = arith.constant 0.000000e+00 : f32
      %neg3A_217 = vector.broadcast %neg3A : f32 to vector<1x16384xf32>
      %neg3A_218 = arith.subf %neg3A_217, %get3A_216 : vector<1x16384xf32>
      %get3A_219 = arith.constant 0 : index
      %get3A_220 = arith.constant 0 : index
      %get3A_221 = vector.load %arg5[%get3A_219, %get3A_220] : memref<1x16xf32, #tpu.memory_space<vmem>>, vector<1x16xf32>
      %broadcast_in_dim3A_222 = arith.constant 0.000000e+00 : f32
      %broadcast_in_dim3A_223 = vector.broadcast %broadcast_in_dim3A_222 : f32 to vector<1x16xf32>
      %ge3A_224 = arith.constant -2.19722462 : f32
      %ge3A_225 = vector.broadcast %ge3A_224 : f32 to vector<1x16384xf32>
      %ge3A_226 = arith.cmpf oge, %neg3A_218, %ge3A_225 : vector<1x16384xf32>
      %jit3A_227 = arith.constant 1.000000e+00 : f32
      %jit3A_228 = arith.constant 0.000000e+00 : f32
      %broadcast_in_dim3A_229 = vector.broadcast %jit3A_227 : f32 to vector<1x16384xf32>
      %broadcast_in_dim3A_230 = vector.broadcast %jit3A_228 : f32 to vector<1x16384xf32>
      %select_n3A_231 = arith.select %ge3A_226, %broadcast_in_dim3A_229, %broadcast_in_dim3A_230 : vector<1x16384xi1>, vector<1x16384xf32>
      %reduce_sum3A_232 = vector.shape_cast %select_n3A_231 : vector<1x16384xf32> to vector<1x1x16384xf32>
      %reduce_sum3A_233 = arith.constant dense<0.000000e+00> : vector<1xf32>
      %reduce_sum3A_234 = vector.multi_reduction <add>, %reduce_sum3A_232, %reduce_sum3A_233 [1, 2] : vector<1x1x16384xf32> to vector<1xf32>
      %reduce_sum3A_235 = vector.shape_cast %reduce_sum3A_234 : vector<1xf32> to vector<1x1x1xf32>
      %reduce_sum3A_236 = vector.extract %reduce_sum3A_235[0, 0, 0] : f32 from vector<1x1x1xf32>
      %ge3A_237 = arith.constant -2.19722462 : f32
      %ge3A_238 = vector.broadcast %ge3A_237 : f32 to vector<1x16384xf32>
      %ge3A_239 = arith.cmpf oge, %get3A_216, %ge3A_238 : vector<1x16384xf32>
      %jit3A_240 = arith.constant 1.000000e+00 : f32
      %jit3A_241 = arith.constant 0.000000e+00 : f32
      %broadcast_in_dim3A_242 = vector.broadcast %jit3A_240 : f32 to vector<1x16384xf32>
      %broadcast_in_dim3A_243 = vector.broadcast %jit3A_241 : f32 to vector<1x16384xf32>
      %select_n3A_244 = arith.select %ge3A_239, %broadcast_in_dim3A_242, %broadcast_in_dim3A_243 : vector<1x16384xi1>, vector<1x16384xf32>
      %reduce_sum3A_245 = vector.shape_cast %select_n3A_244 : vector<1x16384xf32> to vector<1x1x16384xf32>
      %reduce_sum3A_246 = arith.constant dense<0.000000e+00> : vector<1xf32>
      %reduce_sum3A_247 = vector.multi_reduction <add>, %reduce_sum3A_245, %reduce_sum3A_246 [1, 2] : vector<1x1x16384xf32> to vector<1xf32>
      %reduce_sum3A_248 = vector.shape_cast %reduce_sum3A_247 : vector<1xf32> to vector<1x1x1xf32>
      %reduce_sum3A_249 = vector.extract %reduce_sum3A_248[0, 0, 0] : f32 from vector<1x1x1xf32>
      %sub3A = arith.subf %reduce_sum3A_236, %reduce_sum3A_249 : f32
      %eq3A_250 = arith.constant 0 : i32
      %eq3A_251 = vector.broadcast %eq3A_250 : i32 to vector<1x16xi32>
      %eq3A_252 = arith.cmpi eq, %iota3A_4, %eq3A_251 : vector<1x16xi32>
      %broadcast_in_dim3A_253 = vector.broadcast %sub3A : f32 to vector<1x16xf32>
      %select_n3A_254 = arith.select %eq3A_252, %broadcast_in_dim3A_253, %broadcast_in_dim3A_223 : vector<1x16xi1>, vector<1x16xf32>
      %ge3A_255 = arith.constant -1.38629436 : f32
      %ge3A_256 = vector.broadcast %ge3A_255 : f32 to vector<1x16384xf32>
      %ge3A_257 = arith.cmpf oge, %neg3A_218, %ge3A_256 : vector<1x16384xf32>
      %jit3A_258 = arith.constant 1.000000e+00 : f32
      %jit3A_259 = arith.constant 0.000000e+00 : f32
      %broadcast_in_dim3A_260 = vector.broadcast %jit3A_258 : f32 to vector<1x16384xf32>
      %broadcast_in_dim3A_261 = vector.broadcast %jit3A_259 : f32 to vector<1x16384xf32>
      %select_n3A_262 = arith.select %ge3A_257, %broadcast_in_dim3A_260, %broadcast_in_dim3A_261 : vector<1x16384xi1>, vector<1x16384xf32>
      %reduce_sum3A_263 = vector.shape_cast %select_n3A_262 : vector<1x16384xf32> to vector<1x1x16384xf32>
      %reduce_sum3A_264 = arith.constant dense<0.000000e+00> : vector<1xf32>
      %reduce_sum3A_265 = vector.multi_reduction <add>, %reduce_sum3A_263, %reduce_sum3A_264 [1, 2] : vector<1x1x16384xf32> to vector<1xf32>
      %reduce_sum3A_266 = vector.shape_cast %reduce_sum3A_265 : vector<1xf32> to vector<1x1x1xf32>
      %reduce_sum3A_267 = vector.extract %reduce_sum3A_266[0, 0, 0] : f32 from vector<1x1x1xf32>
      %ge3A_268 = arith.constant -1.38629436 : f32
      %ge3A_269 = vector.broadcast %ge3A_268 : f32 to vector<1x16384xf32>
      %ge3A_270 = arith.cmpf oge, %get3A_216, %ge3A_269 : vector<1x16384xf32>
      %jit3A_271 = arith.constant 1.000000e+00 : f32
      %jit3A_272 = arith.constant 0.000000e+00 : f32
      %broadcast_in_dim3A_273 = vector.broadcast %jit3A_271 : f32 to vector<1x16384xf32>
      %broadcast_in_dim3A_274 = vector.broadcast %jit3A_272 : f32 to vector<1x16384xf32>
      %select_n3A_275 = arith.select %ge3A_270, %broadcast_in_dim3A_273, %broadcast_in_dim3A_274 : vector<1x16384xi1>, vector<1x16384xf32>
      %reduce_sum3A_276 = vector.shape_cast %select_n3A_275 : vector<1x16384xf32> to vector<1x1x16384xf32>
      %reduce_sum3A_277 = arith.constant dense<0.000000e+00> : vector<1xf32>
      %reduce_sum3A_278 = vector.multi_reduction <add>, %reduce_sum3A_276, %reduce_sum3A_277 [1, 2] : vector<1x1x16384xf32> to vector<1xf32>
      %reduce_sum3A_279 = vector.shape_cast %reduce_sum3A_278 : vector<1xf32> to vector<1x1x1xf32>
      %reduce_sum3A_280 = vector.extract %reduce_sum3A_279[0, 0, 0] : f32 from vector<1x1x1xf32>
      %sub3A_281 = arith.subf %reduce_sum3A_267, %reduce_sum3A_280 : f32
      %eq3A_282 = arith.constant 1 : i32
      %eq3A_283 = vector.broadcast %eq3A_282 : i32 to vector<1x16xi32>
      %eq3A_284 = arith.cmpi eq, %iota3A_4, %eq3A_283 : vector<1x16xi32>
      %broadcast_in_dim3A_285 = vector.broadcast %sub3A_281 : f32 to vector<1x16xf32>
      %select_n3A_286 = arith.select %eq3A_284, %broadcast_in_dim3A_285, %select_n3A_254 : vector<1x16xi1>, vector<1x16xf32>
      %ge3A_287 = arith.constant -0.847297847 : f32
      %ge3A_288 = vector.broadcast %ge3A_287 : f32 to vector<1x16384xf32>
      %ge3A_289 = arith.cmpf oge, %neg3A_218, %ge3A_288 : vector<1x16384xf32>
      %jit3A_290 = arith.constant 1.000000e+00 : f32
      %jit3A_291 = arith.constant 0.000000e+00 : f32
      %broadcast_in_dim3A_292 = vector.broadcast %jit3A_290 : f32 to vector<1x16384xf32>
      %broadcast_in_dim3A_293 = vector.broadcast %jit3A_291 : f32 to vector<1x16384xf32>
      %select_n3A_294 = arith.select %ge3A_289, %broadcast_in_dim3A_292, %broadcast_in_dim3A_293 : vector<1x16384xi1>, vector<1x16384xf32>
      %reduce_sum3A_295 = vector.shape_cast %select_n3A_294 : vector<1x16384xf32> to vector<1x1x16384xf32>
      %reduce_sum3A_296 = arith.constant dense<0.000000e+00> : vector<1xf32>
      %reduce_sum3A_297 = vector.multi_reduction <add>, %reduce_sum3A_295, %reduce_sum3A_296 [1, 2] : vector<1x1x16384xf32> to vector<1xf32>
      %reduce_sum3A_298 = vector.shape_cast %reduce_sum3A_297 : vector<1xf32> to vector<1x1x1xf32>
      %reduce_sum3A_299 = vector.extract %reduce_sum3A_298[0, 0, 0] : f32 from vector<1x1x1xf32>
      %ge3A_300 = arith.constant -0.847297847 : f32
      %ge3A_301 = vector.broadcast %ge3A_300 : f32 to vector<1x16384xf32>
      %ge3A_302 = arith.cmpf oge, %get3A_216, %ge3A_301 : vector<1x16384xf32>
      %jit3A_303 = arith.constant 1.000000e+00 : f32
      %jit3A_304 = arith.constant 0.000000e+00 : f32
      %broadcast_in_dim3A_305 = vector.broadcast %jit3A_303 : f32 to vector<1x16384xf32>
      %broadcast_in_dim3A_306 = vector.broadcast %jit3A_304 : f32 to vector<1x16384xf32>
      %select_n3A_307 = arith.select %ge3A_302, %broadcast_in_dim3A_305, %broadcast_in_dim3A_306 : vector<1x16384xi1>, vector<1x16384xf32>
      %reduce_sum3A_308 = vector.shape_cast %select_n3A_307 : vector<1x16384xf32> to vector<1x1x16384xf32>
      %reduce_sum3A_309 = arith.constant dense<0.000000e+00> : vector<1xf32>
      %reduce_sum3A_310 = vector.multi_reduction <add>, %reduce_sum3A_308, %reduce_sum3A_309 [1, 2] : vector<1x1x16384xf32> to vector<1xf32>
      %reduce_sum3A_311 = vector.shape_cast %reduce_sum3A_310 : vector<1xf32> to vector<1x1x1xf32>
      %reduce_sum3A_312 = vector.extract %reduce_sum3A_311[0, 0, 0] : f32 from vector<1x1x1xf32>
      %sub3A_313 = arith.subf %reduce_sum3A_299, %reduce_sum3A_312 : f32
      %eq3A_314 = arith.constant 2 : i32
      %eq3A_315 = vector.broadcast %eq3A_314 : i32 to vector<1x16xi32>
      %eq3A_316 = arith.cmpi eq, %iota3A_4, %eq3A_315 : vector<1x16xi32>
      %broadcast_in_dim3A_317 = vector.broadcast %sub3A_313 : f32 to vector<1x16xf32>
      %select_n3A_318 = arith.select %eq3A_316, %broadcast_in_dim3A_317, %select_n3A_286 : vector<1x16xi1>, vector<1x16xf32>
      %ge3A_319 = arith.constant -0.405465096 : f32
      %ge3A_320 = vector.broadcast %ge3A_319 : f32 to vector<1x16384xf32>
      %ge3A_321 = arith.cmpf oge, %neg3A_218, %ge3A_320 : vector<1x16384xf32>
      %jit3A_322 = arith.constant 1.000000e+00 : f32
      %jit3A_323 = arith.constant 0.000000e+00 : f32
      %broadcast_in_dim3A_324 = vector.broadcast %jit3A_322 : f32 to vector<1x16384xf32>
      %broadcast_in_dim3A_325 = vector.broadcast %jit3A_323 : f32 to vector<1x16384xf32>
      %select_n3A_326 = arith.select %ge3A_321, %broadcast_in_dim3A_324, %broadcast_in_dim3A_325 : vector<1x16384xi1>, vector<1x16384xf32>
      %reduce_sum3A_327 = vector.shape_cast %select_n3A_326 : vector<1x16384xf32> to vector<1x1x16384xf32>
      %reduce_sum3A_328 = arith.constant dense<0.000000e+00> : vector<1xf32>
      %reduce_sum3A_329 = vector.multi_reduction <add>, %reduce_sum3A_327, %reduce_sum3A_328 [1, 2] : vector<1x1x16384xf32> to vector<1xf32>
      %reduce_sum3A_330 = vector.shape_cast %reduce_sum3A_329 : vector<1xf32> to vector<1x1x1xf32>
      %reduce_sum3A_331 = vector.extract %reduce_sum3A_330[0, 0, 0] : f32 from vector<1x1x1xf32>
      %ge3A_332 = arith.constant -0.405465096 : f32
      %ge3A_333 = vector.broadcast %ge3A_332 : f32 to vector<1x16384xf32>
      %ge3A_334 = arith.cmpf oge, %get3A_216, %ge3A_333 : vector<1x16384xf32>
      %jit3A_335 = arith.constant 1.000000e+00 : f32
      %jit3A_336 = arith.constant 0.000000e+00 : f32
      %broadcast_in_dim3A_337 = vector.broadcast %jit3A_335 : f32 to vector<1x16384xf32>
      %broadcast_in_dim3A_338 = vector.broadcast %jit3A_336 : f32 to vector<1x16384xf32>
      %select_n3A_339 = arith.select %ge3A_334, %broadcast_in_dim3A_337, %broadcast_in_dim3A_338 : vector<1x16384xi1>, vector<1x16384xf32>
      %reduce_sum3A_340 = vector.shape_cast %select_n3A_339 : vector<1x16384xf32> to vector<1x1x16384xf32>
      %reduce_sum3A_341 = arith.constant dense<0.000000e+00> : vector<1xf32>
      %reduce_sum3A_342 = vector.multi_reduction <add>, %reduce_sum3A_340, %reduce_sum3A_341 [1, 2] : vector<1x1x16384xf32> to vector<1xf32>
      %reduce_sum3A_343 = vector.shape_cast %reduce_sum3A_342 : vector<1xf32> to vector<1x1x1xf32>
      %reduce_sum3A_344 = vector.extract %reduce_sum3A_343[0, 0, 0] : f32 from vector<1x1x1xf32>
      %sub3A_345 = arith.subf %reduce_sum3A_331, %reduce_sum3A_344 : f32
      %eq3A_346 = arith.constant 3 : i32
      %eq3A_347 = vector.broadcast %eq3A_346 : i32 to vector<1x16xi32>
      %eq3A_348 = arith.cmpi eq, %iota3A_4, %eq3A_347 : vector<1x16xi32>
      %broadcast_in_dim3A_349 = vector.broadcast %sub3A_345 : f32 to vector<1x16xf32>
      %select_n3A_350 = arith.select %eq3A_348, %broadcast_in_dim3A_349, %select_n3A_318 : vector<1x16xi1>, vector<1x16xf32>
      %ge3A_351 = arith.constant 0.000000e+00 : f32
      %ge3A_352 = vector.broadcast %ge3A_351 : f32 to vector<1x16384xf32>
      %ge3A_353 = arith.cmpf oge, %neg3A_218, %ge3A_352 : vector<1x16384xf32>
      %jit3A_354 = arith.constant 1.000000e+00 : f32
      %jit3A_355 = arith.constant 0.000000e+00 : f32
      %broadcast_in_dim3A_356 = vector.broadcast %jit3A_354 : f32 to vector<1x16384xf32>
      %broadcast_in_dim3A_357 = vector.broadcast %jit3A_355 : f32 to vector<1x16384xf32>
      %select_n3A_358 = arith.select %ge3A_353, %broadcast_in_dim3A_356, %broadcast_in_dim3A_357 : vector<1x16384xi1>, vector<1x16384xf32>
      %reduce_sum3A_359 = vector.shape_cast %select_n3A_358 : vector<1x16384xf32> to vector<1x1x16384xf32>
      %reduce_sum3A_360 = arith.constant dense<0.000000e+00> : vector<1xf32>
      %reduce_sum3A_361 = vector.multi_reduction <add>, %reduce_sum3A_359, %reduce_sum3A_360 [1, 2] : vector<1x1x16384xf32> to vector<1xf32>
      %reduce_sum3A_362 = vector.shape_cast %reduce_sum3A_361 : vector<1xf32> to vector<1x1x1xf32>
      %reduce_sum3A_363 = vector.extract %reduce_sum3A_362[0, 0, 0] : f32 from vector<1x1x1xf32>
      %ge3A_364 = arith.constant 0.000000e+00 : f32
      %ge3A_365 = vector.broadcast %ge3A_364 : f32 to vector<1x16384xf32>
      %ge3A_366 = arith.cmpf oge, %get3A_216, %ge3A_365 : vector<1x16384xf32>
      %jit3A_367 = arith.constant 1.000000e+00 : f32
      %jit3A_368 = arith.constant 0.000000e+00 : f32
      %broadcast_in_dim3A_369 = vector.broadcast %jit3A_367 : f32 to vector<1x16384xf32>
      %broadcast_in_dim3A_370 = vector.broadcast %jit3A_368 : f32 to vector<1x16384xf32>
      %select_n3A_371 = arith.select %ge3A_366, %broadcast_in_dim3A_369, %broadcast_in_dim3A_370 : vector<1x16384xi1>, vector<1x16384xf32>
      %reduce_sum3A_372 = vector.shape_cast %select_n3A_371 : vector<1x16384xf32> to vector<1x1x16384xf32>
      %reduce_sum3A_373 = arith.constant dense<0.000000e+00> : vector<1xf32>
      %reduce_sum3A_374 = vector.multi_reduction <add>, %reduce_sum3A_372, %reduce_sum3A_373 [1, 2] : vector<1x1x16384xf32> to vector<1xf32>
      %reduce_sum3A_375 = vector.shape_cast %reduce_sum3A_374 : vector<1xf32> to vector<1x1x1xf32>
      %reduce_sum3A_376 = vector.extract %reduce_sum3A_375[0, 0, 0] : f32 from vector<1x1x1xf32>
      %sub3A_377 = arith.subf %reduce_sum3A_363, %reduce_sum3A_376 : f32
      %eq3A_378 = arith.constant 4 : i32
      %eq3A_379 = vector.broadcast %eq3A_378 : i32 to vector<1x16xi32>
      %eq3A_380 = arith.cmpi eq, %iota3A_4, %eq3A_379 : vector<1x16xi32>
      %broadcast_in_dim3A_381 = vector.broadcast %sub3A_377 : f32 to vector<1x16xf32>
      %select_n3A_382 = arith.select %eq3A_380, %broadcast_in_dim3A_381, %select_n3A_350 : vector<1x16xi1>, vector<1x16xf32>
      %ge3A_383 = arith.constant 0.405465096 : f32
      %ge3A_384 = vector.broadcast %ge3A_383 : f32 to vector<1x16384xf32>
      %ge3A_385 = arith.cmpf oge, %neg3A_218, %ge3A_384 : vector<1x16384xf32>
      %jit3A_386 = arith.constant 1.000000e+00 : f32
      %jit3A_387 = arith.constant 0.000000e+00 : f32
      %broadcast_in_dim3A_388 = vector.broadcast %jit3A_386 : f32 to vector<1x16384xf32>
      %broadcast_in_dim3A_389 = vector.broadcast %jit3A_387 : f32 to vector<1x16384xf32>
      %select_n3A_390 = arith.select %ge3A_385, %broadcast_in_dim3A_388, %broadcast_in_dim3A_389 : vector<1x16384xi1>, vector<1x16384xf32>
      %reduce_sum3A_391 = vector.shape_cast %select_n3A_390 : vector<1x16384xf32> to vector<1x1x16384xf32>
      %reduce_sum3A_392 = arith.constant dense<0.000000e+00> : vector<1xf32>
      %reduce_sum3A_393 = vector.multi_reduction <add>, %reduce_sum3A_391, %reduce_sum3A_392 [1, 2] : vector<1x1x16384xf32> to vector<1xf32>
      %reduce_sum3A_394 = vector.shape_cast %reduce_sum3A_393 : vector<1xf32> to vector<1x1x1xf32>
      %reduce_sum3A_395 = vector.extract %reduce_sum3A_394[0, 0, 0] : f32 from vector<1x1x1xf32>
      %ge3A_396 = arith.constant 0.405465096 : f32
      %ge3A_397 = vector.broadcast %ge3A_396 : f32 to vector<1x16384xf32>
      %ge3A_398 = arith.cmpf oge, %get3A_216, %ge3A_397 : vector<1x16384xf32>
      %jit3A_399 = arith.constant 1.000000e+00 : f32
      %jit3A_400 = arith.constant 0.000000e+00 : f32
      %broadcast_in_dim3A_401 = vector.broadcast %jit3A_399 : f32 to vector<1x16384xf32>
      %broadcast_in_dim3A_402 = vector.broadcast %jit3A_400 : f32 to vector<1x16384xf32>
      %select_n3A_403 = arith.select %ge3A_398, %broadcast_in_dim3A_401, %broadcast_in_dim3A_402 : vector<1x16384xi1>, vector<1x16384xf32>
      %reduce_sum3A_404 = vector.shape_cast %select_n3A_403 : vector<1x16384xf32> to vector<1x1x16384xf32>
      %reduce_sum3A_405 = arith.constant dense<0.000000e+00> : vector<1xf32>
      %reduce_sum3A_406 = vector.multi_reduction <add>, %reduce_sum3A_404, %reduce_sum3A_405 [1, 2] : vector<1x1x16384xf32> to vector<1xf32>
      %reduce_sum3A_407 = vector.shape_cast %reduce_sum3A_406 : vector<1xf32> to vector<1x1x1xf32>
      %reduce_sum3A_408 = vector.extract %reduce_sum3A_407[0, 0, 0] : f32 from vector<1x1x1xf32>
      %sub3A_409 = arith.subf %reduce_sum3A_395, %reduce_sum3A_408 : f32
      %eq3A_410 = arith.constant 5 : i32
      %eq3A_411 = vector.broadcast %eq3A_410 : i32 to vector<1x16xi32>
      %eq3A_412 = arith.cmpi eq, %iota3A_4, %eq3A_411 : vector<1x16xi32>
      %broadcast_in_dim3A_413 = vector.broadcast %sub3A_409 : f32 to vector<1x16xf32>
      %select_n3A_414 = arith.select %eq3A_412, %broadcast_in_dim3A_413, %select_n3A_382 : vector<1x16xi1>, vector<1x16xf32>
      %ge3A_415 = arith.constant 0.847297847 : f32
      %ge3A_416 = vector.broadcast %ge3A_415 : f32 to vector<1x16384xf32>
      %ge3A_417 = arith.cmpf oge, %neg3A_218, %ge3A_416 : vector<1x16384xf32>
      %jit3A_418 = arith.constant 1.000000e+00 : f32
      %jit3A_419 = arith.constant 0.000000e+00 : f32
      %broadcast_in_dim3A_420 = vector.broadcast %jit3A_418 : f32 to vector<1x16384xf32>
      %broadcast_in_dim3A_421 = vector.broadcast %jit3A_419 : f32 to vector<1x16384xf32>
      %select_n3A_422 = arith.select %ge3A_417, %broadcast_in_dim3A_420, %broadcast_in_dim3A_421 : vector<1x16384xi1>, vector<1x16384xf32>
      %reduce_sum3A_423 = vector.shape_cast %select_n3A_422 : vector<1x16384xf32> to vector<1x1x16384xf32>
      %reduce_sum3A_424 = arith.constant dense<0.000000e+00> : vector<1xf32>
      %reduce_sum3A_425 = vector.multi_reduction <add>, %reduce_sum3A_423, %reduce_sum3A_424 [1, 2] : vector<1x1x16384xf32> to vector<1xf32>
      %reduce_sum3A_426 = vector.shape_cast %reduce_sum3A_425 : vector<1xf32> to vector<1x1x1xf32>
      %reduce_sum3A_427 = vector.extract %reduce_sum3A_426[0, 0, 0] : f32 from vector<1x1x1xf32>
      %ge3A_428 = arith.constant 0.847297847 : f32
      %ge3A_429 = vector.broadcast %ge3A_428 : f32 to vector<1x16384xf32>
      %ge3A_430 = arith.cmpf oge, %get3A_216, %ge3A_429 : vector<1x16384xf32>
      %jit3A_431 = arith.constant 1.000000e+00 : f32
      %jit3A_432 = arith.constant 0.000000e+00 : f32
      %broadcast_in_dim3A_433 = vector.broadcast %jit3A_431 : f32 to vector<1x16384xf32>
      %broadcast_in_dim3A_434 = vector.broadcast %jit3A_432 : f32 to vector<1x16384xf32>
      %select_n3A_435 = arith.select %ge3A_430, %broadcast_in_dim3A_433, %broadcast_in_dim3A_434 : vector<1x16384xi1>, vector<1x16384xf32>
      %reduce_sum3A_436 = vector.shape_cast %select_n3A_435 : vector<1x16384xf32> to vector<1x1x16384xf32>
      %reduce_sum3A_437 = arith.constant dense<0.000000e+00> : vector<1xf32>
      %reduce_sum3A_438 = vector.multi_reduction <add>, %reduce_sum3A_436, %reduce_sum3A_437 [1, 2] : vector<1x1x16384xf32> to vector<1xf32>
      %reduce_sum3A_439 = vector.shape_cast %reduce_sum3A_438 : vector<1xf32> to vector<1x1x1xf32>
      %reduce_sum3A_440 = vector.extract %reduce_sum3A_439[0, 0, 0] : f32 from vector<1x1x1xf32>
      %sub3A_441 = arith.subf %reduce_sum3A_427, %reduce_sum3A_440 : f32
      %eq3A_442 = arith.constant 6 : i32
      %eq3A_443 = vector.broadcast %eq3A_442 : i32 to vector<1x16xi32>
      %eq3A_444 = arith.cmpi eq, %iota3A_4, %eq3A_443 : vector<1x16xi32>
      %broadcast_in_dim3A_445 = vector.broadcast %sub3A_441 : f32 to vector<1x16xf32>
      %select_n3A_446 = arith.select %eq3A_444, %broadcast_in_dim3A_445, %select_n3A_414 : vector<1x16xi1>, vector<1x16xf32>
      %ge3A_447 = arith.constant 1.38629436 : f32
      %ge3A_448 = vector.broadcast %ge3A_447 : f32 to vector<1x16384xf32>
      %ge3A_449 = arith.cmpf oge, %neg3A_218, %ge3A_448 : vector<1x16384xf32>
      %jit3A_450 = arith.constant 1.000000e+00 : f32
      %jit3A_451 = arith.constant 0.000000e+00 : f32
      %broadcast_in_dim3A_452 = vector.broadcast %jit3A_450 : f32 to vector<1x16384xf32>
      %broadcast_in_dim3A_453 = vector.broadcast %jit3A_451 : f32 to vector<1x16384xf32>
      %select_n3A_454 = arith.select %ge3A_449, %broadcast_in_dim3A_452, %broadcast_in_dim3A_453 : vector<1x16384xi1>, vector<1x16384xf32>
      %reduce_sum3A_455 = vector.shape_cast %select_n3A_454 : vector<1x16384xf32> to vector<1x1x16384xf32>
      %reduce_sum3A_456 = arith.constant dense<0.000000e+00> : vector<1xf32>
      %reduce_sum3A_457 = vector.multi_reduction <add>, %reduce_sum3A_455, %reduce_sum3A_456 [1, 2] : vector<1x1x16384xf32> to vector<1xf32>
      %reduce_sum3A_458 = vector.shape_cast %reduce_sum3A_457 : vector<1xf32> to vector<1x1x1xf32>
      %reduce_sum3A_459 = vector.extract %reduce_sum3A_458[0, 0, 0] : f32 from vector<1x1x1xf32>
      %ge3A_460 = arith.constant 1.38629436 : f32
      %ge3A_461 = vector.broadcast %ge3A_460 : f32 to vector<1x16384xf32>
      %ge3A_462 = arith.cmpf oge, %get3A_216, %ge3A_461 : vector<1x16384xf32>
      %jit3A_463 = arith.constant 1.000000e+00 : f32
      %jit3A_464 = arith.constant 0.000000e+00 : f32
      %broadcast_in_dim3A_465 = vector.broadcast %jit3A_463 : f32 to vector<1x16384xf32>
      %broadcast_in_dim3A_466 = vector.broadcast %jit3A_464 : f32 to vector<1x16384xf32>
      %select_n3A_467 = arith.select %ge3A_462, %broadcast_in_dim3A_465, %broadcast_in_dim3A_466 : vector<1x16384xi1>, vector<1x16384xf32>
      %reduce_sum3A_468 = vector.shape_cast %select_n3A_467 : vector<1x16384xf32> to vector<1x1x16384xf32>
      %reduce_sum3A_469 = arith.constant dense<0.000000e+00> : vector<1xf32>
      %reduce_sum3A_470 = vector.multi_reduction <add>, %reduce_sum3A_468, %reduce_sum3A_469 [1, 2] : vector<1x1x16384xf32> to vector<1xf32>
      %reduce_sum3A_471 = vector.shape_cast %reduce_sum3A_470 : vector<1xf32> to vector<1x1x1xf32>
      %reduce_sum3A_472 = vector.extract %reduce_sum3A_471[0, 0, 0] : f32 from vector<1x1x1xf32>
      %sub3A_473 = arith.subf %reduce_sum3A_459, %reduce_sum3A_472 : f32
      %eq3A_474 = arith.constant 7 : i32
      %eq3A_475 = vector.broadcast %eq3A_474 : i32 to vector<1x16xi32>
      %eq3A_476 = arith.cmpi eq, %iota3A_4, %eq3A_475 : vector<1x16xi32>
      %broadcast_in_dim3A_477 = vector.broadcast %sub3A_473 : f32 to vector<1x16xf32>
      %select_n3A_478 = arith.select %eq3A_476, %broadcast_in_dim3A_477, %select_n3A_446 : vector<1x16xi1>, vector<1x16xf32>
      %ge3A_479 = arith.constant 2.19722462 : f32
      %ge3A_480 = vector.broadcast %ge3A_479 : f32 to vector<1x16384xf32>
      %ge3A_481 = arith.cmpf oge, %neg3A_218, %ge3A_480 : vector<1x16384xf32>
      %jit3A_482 = arith.constant 1.000000e+00 : f32
      %jit3A_483 = arith.constant 0.000000e+00 : f32
      %broadcast_in_dim3A_484 = vector.broadcast %jit3A_482 : f32 to vector<1x16384xf32>
      %broadcast_in_dim3A_485 = vector.broadcast %jit3A_483 : f32 to vector<1x16384xf32>
      %select_n3A_486 = arith.select %ge3A_481, %broadcast_in_dim3A_484, %broadcast_in_dim3A_485 : vector<1x16384xi1>, vector<1x16384xf32>
      %reduce_sum3A_487 = vector.shape_cast %select_n3A_486 : vector<1x16384xf32> to vector<1x1x16384xf32>
      %reduce_sum3A_488 = arith.constant dense<0.000000e+00> : vector<1xf32>
      %reduce_sum3A_489 = vector.multi_reduction <add>, %reduce_sum3A_487, %reduce_sum3A_488 [1, 2] : vector<1x1x16384xf32> to vector<1xf32>
      %reduce_sum3A_490 = vector.shape_cast %reduce_sum3A_489 : vector<1xf32> to vector<1x1x1xf32>
      %reduce_sum3A_491 = vector.extract %reduce_sum3A_490[0, 0, 0] : f32 from vector<1x1x1xf32>
      %ge3A_492 = arith.constant 2.19722462 : f32
      %ge3A_493 = vector.broadcast %ge3A_492 : f32 to vector<1x16384xf32>
      %ge3A_494 = arith.cmpf oge, %get3A_216, %ge3A_493 : vector<1x16384xf32>
      %jit3A_495 = arith.constant 1.000000e+00 : f32
      %jit3A_496 = arith.constant 0.000000e+00 : f32
      %broadcast_in_dim3A_497 = vector.broadcast %jit3A_495 : f32 to vector<1x16384xf32>
      %broadcast_in_dim3A_498 = vector.broadcast %jit3A_496 : f32 to vector<1x16384xf32>
      %select_n3A_499 = arith.select %ge3A_494, %broadcast_in_dim3A_497, %broadcast_in_dim3A_498 : vector<1x16384xi1>, vector<1x16384xf32>
      %reduce_sum3A_500 = vector.shape_cast %select_n3A_499 : vector<1x16384xf32> to vector<1x1x16384xf32>
      %reduce_sum3A_501 = arith.constant dense<0.000000e+00> : vector<1xf32>
      %reduce_sum3A_502 = vector.multi_reduction <add>, %reduce_sum3A_500, %reduce_sum3A_501 [1, 2] : vector<1x1x16384xf32> to vector<1xf32>
      %reduce_sum3A_503 = vector.shape_cast %reduce_sum3A_502 : vector<1xf32> to vector<1x1x1xf32>
      %reduce_sum3A_504 = vector.extract %reduce_sum3A_503[0, 0, 0] : f32 from vector<1x1x1xf32>
      %sub3A_505 = arith.subf %reduce_sum3A_491, %reduce_sum3A_504 : f32
      %eq3A_506 = arith.constant 8 : i32
      %eq3A_507 = vector.broadcast %eq3A_506 : i32 to vector<1x16xi32>
      %eq3A_508 = arith.cmpi eq, %iota3A_4, %eq3A_507 : vector<1x16xi32>
      %broadcast_in_dim3A_509 = vector.broadcast %sub3A_505 : f32 to vector<1x16xf32>
      %select_n3A_510 = arith.select %eq3A_508, %broadcast_in_dim3A_509, %select_n3A_478 : vector<1x16xi1>, vector<1x16xf32>
      %add3A = arith.addf %get3A_221, %select_n3A_510 : vector<1x16xf32>
      %slice3A = vector.extract_strided_slice %add3A {offsets = [0, 0], sizes = [1, 1], strides = [1, 1]} : vector<1x16xf32> to vector<1x1xf32>
      %slice3A_511 = vector.extract_strided_slice %add3A {offsets = [0, 1], sizes = [1, 1], strides = [1, 1]} : vector<1x16xf32> to vector<1x1xf32>
      %slice3A_512 = vector.extract_strided_slice %add3A {offsets = [0, 2], sizes = [1, 1], strides = [1, 1]} : vector<1x16xf32> to vector<1x1xf32>
      %slice3A_513 = vector.extract_strided_slice %add3A {offsets = [0, 3], sizes = [1, 1], strides = [1, 1]} : vector<1x16xf32> to vector<1x1xf32>
      %slice3A_514 = vector.extract_strided_slice %add3A {offsets = [0, 4], sizes = [1, 1], strides = [1, 1]} : vector<1x16xf32> to vector<1x1xf32>
      %slice3A_515 = vector.extract_strided_slice %add3A {offsets = [0, 5], sizes = [1, 1], strides = [1, 1]} : vector<1x16xf32> to vector<1x1xf32>
      %slice3A_516 = vector.extract_strided_slice %add3A {offsets = [0, 6], sizes = [1, 1], strides = [1, 1]} : vector<1x16xf32> to vector<1x1xf32>
      %slice3A_517 = vector.extract_strided_slice %add3A {offsets = [0, 7], sizes = [1, 1], strides = [1, 1]} : vector<1x16xf32> to vector<1x1xf32>
      %slice3A_518 = vector.extract_strided_slice %add3A {offsets = [0, 8], sizes = [1, 1], strides = [1, 1]} : vector<1x16xf32> to vector<1x1xf32>
      %broadcast_in_dim3A_519 = arith.constant 1.638400e+07 : f32
      %broadcast_in_dim3A_520 = vector.broadcast %broadcast_in_dim3A_519 : f32 to vector<1x1xf32>
      %sub3A_521 = arith.subf %broadcast_in_dim3A_520, %slice3A : vector<1x1xf32>
      %sub3A_522 = arith.subf %slice3A, %slice3A_511 : vector<1x1xf32>
      %sub3A_523 = arith.subf %slice3A_511, %slice3A_512 : vector<1x1xf32>
      %sub3A_524 = arith.subf %slice3A_512, %slice3A_513 : vector<1x1xf32>
      %sub3A_525 = arith.subf %slice3A_513, %slice3A_514 : vector<1x1xf32>
      %sub3A_526 = arith.subf %slice3A_514, %slice3A_515 : vector<1x1xf32>
      %sub3A_527 = arith.subf %slice3A_515, %slice3A_516 : vector<1x1xf32>
      %sub3A_528 = arith.subf %slice3A_516, %slice3A_517 : vector<1x1xf32>
      %sub3A_529 = arith.subf %slice3A_517, %slice3A_518 : vector<1x1xf32>
      %concatenate3A_530 = tpu.concatenate %sub3A_521, %sub3A_522, %sub3A_523, %sub3A_524, %sub3A_525, %sub3A_526, %sub3A_527, %sub3A_528, %sub3A_529, %slice3A_518 in 0 : vector<1x1xf32>, vector<1x1xf32>, vector<1x1xf32>, vector<1x1xf32>, vector<1x1xf32>, vector<1x1xf32>, vector<1x1xf32>, vector<1x1xf32>, vector<1x1xf32>, vector<1x1xf32> -> vector<10x1xf32>
      %broadcast_in_dim3A_531 = arith.constant 0.000000e+00 : f32
      %broadcast_in_dim3A_532 = vector.broadcast %broadcast_in_dim3A_531 : f32 to vector<1x16384xf32>
      %add3A_533 = vector.broadcast %sub3A_521 : vector<1x1xf32> to vector<1x16384xf32>
      %add3A_534 = arith.addf %broadcast_in_dim3A_532, %add3A_533 : vector<1x16384xf32>
      %broadcast_in_dim3A_535 = arith.constant 0.000000e+00 : f32
      %broadcast_in_dim3A_536 = vector.broadcast %broadcast_in_dim3A_535 : f32 to vector<1x16384xf32>
      %add3A_537 = vector.broadcast %sub3A_521 : vector<1x1xf32> to vector<1x16384xf32>
      %add3A_538 = arith.addf %broadcast_in_dim3A_536, %add3A_537 : vector<1x16384xf32>
      %ge3A_539 = arith.constant -2.19722462 : f32
      %ge3A_540 = vector.broadcast %ge3A_539 : f32 to vector<1x16384xf32>
      %ge3A_541 = arith.cmpf oge, %neg3A_218, %ge3A_540 : vector<1x16384xf32>
      %broadcast_in_dim3A_542 = vector.shape_cast %sub3A_522 : vector<1x1xf32> to vector<1x1xf32>
      %broadcast_in_dim3A_543 = vector.broadcast %broadcast_in_dim3A_542 : vector<1x1xf32> to vector<1x16384xf32>
      %select_n3A_544 = arith.select %ge3A_541, %broadcast_in_dim3A_543, %add3A_534 : vector<1x16384xi1>, vector<1x16384xf32>
      %ge3A_545 = arith.constant -2.19722462 : f32
      %ge3A_546 = vector.broadcast %ge3A_545 : f32 to vector<1x16384xf32>
      %ge3A_547 = arith.cmpf oge, %get3A_216, %ge3A_546 : vector<1x16384xf32>
      %broadcast_in_dim3A_548 = vector.shape_cast %sub3A_522 : vector<1x1xf32> to vector<1x1xf32>
      %broadcast_in_dim3A_549 = vector.broadcast %broadcast_in_dim3A_548 : vector<1x1xf32> to vector<1x16384xf32>
      %select_n3A_550 = arith.select %ge3A_547, %broadcast_in_dim3A_549, %add3A_538 : vector<1x16384xi1>, vector<1x16384xf32>
      %ge3A_551 = arith.constant -1.38629436 : f32
      %ge3A_552 = vector.broadcast %ge3A_551 : f32 to vector<1x16384xf32>
      %ge3A_553 = arith.cmpf oge, %neg3A_218, %ge3A_552 : vector<1x16384xf32>
      %broadcast_in_dim3A_554 = vector.shape_cast %sub3A_523 : vector<1x1xf32> to vector<1x1xf32>
      %broadcast_in_dim3A_555 = vector.broadcast %broadcast_in_dim3A_554 : vector<1x1xf32> to vector<1x16384xf32>
      %select_n3A_556 = arith.select %ge3A_553, %broadcast_in_dim3A_555, %select_n3A_544 : vector<1x16384xi1>, vector<1x16384xf32>
      %ge3A_557 = arith.constant -1.38629436 : f32
      %ge3A_558 = vector.broadcast %ge3A_557 : f32 to vector<1x16384xf32>
      %ge3A_559 = arith.cmpf oge, %get3A_216, %ge3A_558 : vector<1x16384xf32>
      %broadcast_in_dim3A_560 = vector.shape_cast %sub3A_523 : vector<1x1xf32> to vector<1x1xf32>
      %broadcast_in_dim3A_561 = vector.broadcast %broadcast_in_dim3A_560 : vector<1x1xf32> to vector<1x16384xf32>
      %select_n3A_562 = arith.select %ge3A_559, %broadcast_in_dim3A_561, %select_n3A_550 : vector<1x16384xi1>, vector<1x16384xf32>
      %ge3A_563 = arith.constant -0.847297847 : f32
      %ge3A_564 = vector.broadcast %ge3A_563 : f32 to vector<1x16384xf32>
      %ge3A_565 = arith.cmpf oge, %neg3A_218, %ge3A_564 : vector<1x16384xf32>
      %broadcast_in_dim3A_566 = vector.shape_cast %sub3A_524 : vector<1x1xf32> to vector<1x1xf32>
      %broadcast_in_dim3A_567 = vector.broadcast %broadcast_in_dim3A_566 : vector<1x1xf32> to vector<1x16384xf32>
      %select_n3A_568 = arith.select %ge3A_565, %broadcast_in_dim3A_567, %select_n3A_556 : vector<1x16384xi1>, vector<1x16384xf32>
      %ge3A_569 = arith.constant -0.847297847 : f32
      %ge3A_570 = vector.broadcast %ge3A_569 : f32 to vector<1x16384xf32>
      %ge3A_571 = arith.cmpf oge, %get3A_216, %ge3A_570 : vector<1x16384xf32>
      %broadcast_in_dim3A_572 = vector.shape_cast %sub3A_524 : vector<1x1xf32> to vector<1x1xf32>
      %broadcast_in_dim3A_573 = vector.broadcast %broadcast_in_dim3A_572 : vector<1x1xf32> to vector<1x16384xf32>
      %select_n3A_574 = arith.select %ge3A_571, %broadcast_in_dim3A_573, %select_n3A_562 : vector<1x16384xi1>, vector<1x16384xf32>
      %ge3A_575 = arith.constant -0.405465096 : f32
      %ge3A_576 = vector.broadcast %ge3A_575 : f32 to vector<1x16384xf32>
      %ge3A_577 = arith.cmpf oge, %neg3A_218, %ge3A_576 : vector<1x16384xf32>
      %broadcast_in_dim3A_578 = vector.shape_cast %sub3A_525 : vector<1x1xf32> to vector<1x1xf32>
      %broadcast_in_dim3A_579 = vector.broadcast %broadcast_in_dim3A_578 : vector<1x1xf32> to vector<1x16384xf32>
      %select_n3A_580 = arith.select %ge3A_577, %broadcast_in_dim3A_579, %select_n3A_568 : vector<1x16384xi1>, vector<1x16384xf32>
      %ge3A_581 = arith.constant -0.405465096 : f32
      %ge3A_582 = vector.broadcast %ge3A_581 : f32 to vector<1x16384xf32>
      %ge3A_583 = arith.cmpf oge, %get3A_216, %ge3A_582 : vector<1x16384xf32>
      %broadcast_in_dim3A_584 = vector.shape_cast %sub3A_525 : vector<1x1xf32> to vector<1x1xf32>
      %broadcast_in_dim3A_585 = vector.broadcast %broadcast_in_dim3A_584 : vector<1x1xf32> to vector<1x16384xf32>
      %select_n3A_586 = arith.select %ge3A_583, %broadcast_in_dim3A_585, %select_n3A_574 : vector<1x16384xi1>, vector<1x16384xf32>
      %ge3A_587 = arith.constant 0.000000e+00 : f32
      %ge3A_588 = vector.broadcast %ge3A_587 : f32 to vector<1x16384xf32>
      %ge3A_589 = arith.cmpf oge, %neg3A_218, %ge3A_588 : vector<1x16384xf32>
      %broadcast_in_dim3A_590 = vector.shape_cast %sub3A_526 : vector<1x1xf32> to vector<1x1xf32>
      %broadcast_in_dim3A_591 = vector.broadcast %broadcast_in_dim3A_590 : vector<1x1xf32> to vector<1x16384xf32>
      %select_n3A_592 = arith.select %ge3A_589, %broadcast_in_dim3A_591, %select_n3A_580 : vector<1x16384xi1>, vector<1x16384xf32>
      %ge3A_593 = arith.constant 0.000000e+00 : f32
      %ge3A_594 = vector.broadcast %ge3A_593 : f32 to vector<1x16384xf32>
      %ge3A_595 = arith.cmpf oge, %get3A_216, %ge3A_594 : vector<1x16384xf32>
      %broadcast_in_dim3A_596 = vector.shape_cast %sub3A_526 : vector<1x1xf32> to vector<1x1xf32>
      %broadcast_in_dim3A_597 = vector.broadcast %broadcast_in_dim3A_596 : vector<1x1xf32> to vector<1x16384xf32>
      %select_n3A_598 = arith.select %ge3A_595, %broadcast_in_dim3A_597, %select_n3A_586 : vector<1x16384xi1>, vector<1x16384xf32>
      %ge3A_599 = arith.constant 0.405465096 : f32
      %ge3A_600 = vector.broadcast %ge3A_599 : f32 to vector<1x16384xf32>
      %ge3A_601 = arith.cmpf oge, %neg3A_218, %ge3A_600 : vector<1x16384xf32>
      %broadcast_in_dim3A_602 = vector.shape_cast %sub3A_527 : vector<1x1xf32> to vector<1x1xf32>
      %broadcast_in_dim3A_603 = vector.broadcast %broadcast_in_dim3A_602 : vector<1x1xf32> to vector<1x16384xf32>
      %select_n3A_604 = arith.select %ge3A_601, %broadcast_in_dim3A_603, %select_n3A_592 : vector<1x16384xi1>, vector<1x16384xf32>
      %ge3A_605 = arith.constant 0.405465096 : f32
      %ge3A_606 = vector.broadcast %ge3A_605 : f32 to vector<1x16384xf32>
      %ge3A_607 = arith.cmpf oge, %get3A_216, %ge3A_606 : vector<1x16384xf32>
      %broadcast_in_dim3A_608 = vector.shape_cast %sub3A_527 : vector<1x1xf32> to vector<1x1xf32>
      %broadcast_in_dim3A_609 = vector.broadcast %broadcast_in_dim3A_608 : vector<1x1xf32> to vector<1x16384xf32>
      %select_n3A_610 = arith.select %ge3A_607, %broadcast_in_dim3A_609, %select_n3A_598 : vector<1x16384xi1>, vector<1x16384xf32>
      %ge3A_611 = arith.constant 0.847297847 : f32
      %ge3A_612 = vector.broadcast %ge3A_611 : f32 to vector<1x16384xf32>
      %ge3A_613 = arith.cmpf oge, %neg3A_218, %ge3A_612 : vector<1x16384xf32>
      %broadcast_in_dim3A_614 = vector.shape_cast %sub3A_528 : vector<1x1xf32> to vector<1x1xf32>
      %broadcast_in_dim3A_615 = vector.broadcast %broadcast_in_dim3A_614 : vector<1x1xf32> to vector<1x16384xf32>
      %select_n3A_616 = arith.select %ge3A_613, %broadcast_in_dim3A_615, %select_n3A_604 : vector<1x16384xi1>, vector<1x16384xf32>
      %ge3A_617 = arith.constant 0.847297847 : f32
      %ge3A_618 = vector.broadcast %ge3A_617 : f32 to vector<1x16384xf32>
      %ge3A_619 = arith.cmpf oge, %get3A_216, %ge3A_618 : vector<1x16384xf32>
      %broadcast_in_dim3A_620 = vector.shape_cast %sub3A_528 : vector<1x1xf32> to vector<1x1xf32>
      %broadcast_in_dim3A_621 = vector.broadcast %broadcast_in_dim3A_620 : vector<1x1xf32> to vector<1x16384xf32>
      %select_n3A_622 = arith.select %ge3A_619, %broadcast_in_dim3A_621, %select_n3A_610 : vector<1x16384xi1>, vector<1x16384xf32>
      %ge3A_623 = arith.constant 1.38629436 : f32
      %ge3A_624 = vector.broadcast %ge3A_623 : f32 to vector<1x16384xf32>
      %ge3A_625 = arith.cmpf oge, %neg3A_218, %ge3A_624 : vector<1x16384xf32>
      %broadcast_in_dim3A_626 = vector.shape_cast %sub3A_529 : vector<1x1xf32> to vector<1x1xf32>
      %broadcast_in_dim3A_627 = vector.broadcast %broadcast_in_dim3A_626 : vector<1x1xf32> to vector<1x16384xf32>
      %select_n3A_628 = arith.select %ge3A_625, %broadcast_in_dim3A_627, %select_n3A_616 : vector<1x16384xi1>, vector<1x16384xf32>
      %ge3A_629 = arith.constant 1.38629436 : f32
      %ge3A_630 = vector.broadcast %ge3A_629 : f32 to vector<1x16384xf32>
      %ge3A_631 = arith.cmpf oge, %get3A_216, %ge3A_630 : vector<1x16384xf32>
      %broadcast_in_dim3A_632 = vector.shape_cast %sub3A_529 : vector<1x1xf32> to vector<1x1xf32>
      %broadcast_in_dim3A_633 = vector.broadcast %broadcast_in_dim3A_632 : vector<1x1xf32> to vector<1x16384xf32>
      %select_n3A_634 = arith.select %ge3A_631, %broadcast_in_dim3A_633, %select_n3A_622 : vector<1x16384xi1>, vector<1x16384xf32>
      %ge3A_635 = arith.constant 2.19722462 : f32
      %ge3A_636 = vector.broadcast %ge3A_635 : f32 to vector<1x16384xf32>
      %ge3A_637 = arith.cmpf oge, %neg3A_218, %ge3A_636 : vector<1x16384xf32>
      %broadcast_in_dim3A_638 = vector.shape_cast %slice3A_518 : vector<1x1xf32> to vector<1x1xf32>
      %broadcast_in_dim3A_639 = vector.broadcast %broadcast_in_dim3A_638 : vector<1x1xf32> to vector<1x16384xf32>
      %select_n3A_640 = arith.select %ge3A_637, %broadcast_in_dim3A_639, %select_n3A_628 : vector<1x16384xi1>, vector<1x16384xf32>
      %ge3A_641 = arith.constant 2.19722462 : f32
      %ge3A_642 = vector.broadcast %ge3A_641 : f32 to vector<1x16384xf32>
      %ge3A_643 = arith.cmpf oge, %get3A_216, %ge3A_642 : vector<1x16384xf32>
      %broadcast_in_dim3A_644 = vector.shape_cast %slice3A_518 : vector<1x1xf32> to vector<1x1xf32>
      %broadcast_in_dim3A_645 = vector.broadcast %broadcast_in_dim3A_644 : vector<1x1xf32> to vector<1x16384xf32>
      %select_n3A_646 = arith.select %ge3A_643, %broadcast_in_dim3A_645, %select_n3A_634 : vector<1x16384xi1>, vector<1x16384xf32>
      %get3A_647 = arith.constant 0 : index
      %get3A_648 = arith.constant 0 : index
      %get3A_649 = vector.load %arg4[%get3A_647, %get3A_648] : memref<16x16384xf32, #tpu.memory_space<vmem>>, vector<10x16384xf32>
      %slice3A_650 = vector.extract_strided_slice %get3A_649 {offsets = [1, 0], sizes = [9, 16384], strides = [1, 1]} : vector<10x16384xf32> to vector<9x16384xf32>
      %broadcast_in_dim3A_651 = arith.constant 0.000000e+00 : f32
      %broadcast_in_dim3A_652 = vector.broadcast %broadcast_in_dim3A_651 : f32 to vector<1x16384xf32>
      %concatenate3A_653 = tpu.concatenate %slice3A_650, %broadcast_in_dim3A_652 in 0 : vector<9x16384xf32>, vector<1x16384xf32> -> vector<10x16384xf32>
      %sub3A_654 = arith.subf %get3A_649, %concatenate3A_653 : vector<10x16384xf32>
      %div3A = arith.constant 1.000000e+00 : f32
      %div3A_655 = vector.broadcast %div3A : f32 to vector<1x16384xf32>
      %div3A_656 = arith.divf %div3A_655, %select_n3A_640 : vector<1x16384xf32>
      %mul3A_657 = vector.broadcast %concatenate3A_530 : vector<10x1xf32> to vector<10x16384xf32>
      %mul3A_658 = vector.broadcast %div3A_656 : vector<1x16384xf32> to vector<10x16384xf32>
      %mul3A_659 = arith.mulf %mul3A_657, %mul3A_658 : vector<10x16384xf32>
      %min3A = arith.constant 1.000000e+00 : f32
      %min3A_660 = vector.broadcast %min3A : f32 to vector<10x16384xf32>
      %min3A_661 = arith.minimumf %mul3A_659, %min3A_660 : vector<10x16384xf32>
      %mul3A_662 = arith.mulf %min3A_661, %sub3A_654 : vector<10x16384xf32>
      %reduce_sum3A_663 = arith.constant dense<0.000000e+00> : vector<16384xf32>
      %reduce_sum3A_664 = vector.multi_reduction <add>, %mul3A_662, %reduce_sum3A_663 [0] : vector<10x16384xf32> to vector<16384xf32>
      %broadcast_in_dim3A_665 = vector.shape_cast %reduce_sum3A_664 : vector<16384xf32> to vector<1x16384xf32>
      %exp3A_666 = math.exp %get3A_216 : vector<1x16384xf32>
      %mul3A_667 = arith.mulf %select_n3A_646, %div3A_656 : vector<1x16384xf32>
      %min3A_668 = arith.constant 1.000000e+00 : f32
      %min3A_669 = vector.broadcast %min3A_668 : f32 to vector<1x16384xf32>
      %min3A_670 = arith.minimumf %mul3A_667, %min3A_669 : vector<1x16384xf32>
      %sub3A_671 = arith.constant 1.000000e+00 : f32
      %sub3A_672 = vector.broadcast %sub3A_671 : f32 to vector<1x16384xf32>
      %sub3A_673 = arith.subf %sub3A_672, %min3A_670 : vector<1x16384xf32>
      %mul3A_674 = arith.mulf %exp3A_666, %sub3A_673 : vector<1x16384xf32>
      %add3A_675 = arith.addf %broadcast_in_dim3A_665, %mul3A_674 : vector<1x16384xf32>
      %log3A = math.log %add3A_675 : vector<1x16384xf32>
      %sub3A_676 = arith.subf %log3A, %get3A_216 : vector<1x16384xf32>
      %reduce_sum3A_677 = vector.shape_cast %sub3A_676 : vector<1x16384xf32> to vector<1x1x16384xf32>
      %reduce_sum3A_678 = arith.constant dense<0.000000e+00> : vector<1xf32>
      %reduce_sum3A_679 = vector.multi_reduction <add>, %reduce_sum3A_677, %reduce_sum3A_678 [1, 2] : vector<1x1x16384xf32> to vector<1xf32>
      %reduce_sum3A_680 = vector.shape_cast %reduce_sum3A_679 : vector<1xf32> to vector<1x1x1xf32>
      %reduce_sum3A_681 = vector.extract %reduce_sum3A_680[0, 0, 0] : f32 from vector<1x1x1xf32>
      %div3A_682 = arith.constant 1.638400e+04 : f32
      %div3A_683 = arith.divf %reduce_sum3A_681, %div3A_682 : f32
      %swap3A_684 = arith.constant 0 : index
      %swap3A_685 = arith.constant 0 : index
      %swap3A_686 = memref.load %arg3[%swap3A_684, %swap3A_685] : memref<1x1xf32, #tpu.memory_space<smem>>
      memref.store %div3A_683, %arg3[%swap3A_684, %swap3A_685] : memref<1x1xf32, #tpu.memory_space<smem>>
    } else {
    }
    return
  }
  func.func @transform_0(%arg0: i32) -> (i32, i32) {
    %c0_i32 = arith.constant 0 : i32
    %c0_i32_0 = arith.constant 0 : i32
    return %arg0, %c0_i32 : i32, i32
  }
  func.func @transform_1(%arg0: i32) -> (i32, i32) {
    %c0_i32 = arith.constant 0 : i32
    %c0_i32_0 = arith.constant 0 : i32
    %c0_i32_1 = arith.constant 0 : i32
    return %c0_i32, %c0_i32_0 : i32, i32
  }
  func.func @transform_2(%arg0: i32) -> (i32, i32) {
    %c0_i32 = arith.constant 0 : i32
    %c0_i32_0 = arith.constant 0 : i32
    %c0_i32_1 = arith.constant 0 : i32
    return %c0_i32, %c0_i32_0 : i32, i32
  }
}

</mosaic_0001>

<sc_bundles>
// kernel: kernel.4.cloned.1.call-start
scs
__scs_entry_jumppad:
0x0: {  	(pc) =	sbr.rel $0x88, $3  }
0x1: {  	(tag) =	ssettag $0x0;
	lr =	simm.s32 $0x1  }
0x2: {  	[smem:$0x3F9F] =	sst lr;
	_ =	strace $0xD0000000  }
0x3: {  	_ = 	snop  }
0x4: {  	_ = 	snop  }
0x5: {  	_ = 	snop  }
0x6: {  	_ = 	snop  }
0x7: {  	_ = 	snop  }
__scs_overlays_trampoline_lowered:
0x8: {  	[smem:$0x3FAE] =	sst s0  }
0x9: {  	[smem:$0x3FAF] =	sst s1  }
0xa: {  	[smem:$0x3FB0] =	sst s2  }
0xb: {  	[smem:$0x3FB1] =	sst s3  }
0xc: {  	[smem:$0x3FB2] =	sst s4  }
0xd: {  	[smem:$0x3FB3] =	sst s5  }
0xe: {  	[smem:$0x3FB4] =	sst s6  }
0xf: {  	[smem:$0x3FB5] =	sst s7  }
0x10: {  	[smem:$0x3FB6] =	sst s8  }
0x11: {  	[smem:$0x3FB7] =	sst s9;
	s0 =	simm.s32 @!p0 $0x0  }
0x12: {  	s1 =	sld [smem:$0x3F9D];
	s0 =	simm.s32 @p0 $0x1  }
0x13: {  	[smem:$0x3FB8] =	sst s0;
	s0 =	simm.s32 @!p1 $0x0  }
0x14: {  	s2 =	sld [smem:$0x3F9C];
	s0 =	simm.s32 @p1 $0x1  }
0x15: {  	[smem:$0x3FB9] =	sst s0;
	s0 =	simm.s32 @!p2 $0x0  }
0x16: {  	s3 =	sld [smem:$0x3FDB];
	s0 =	simm.s32 @p2 $0x1  }
0x17: {  	s4 =	simm.s32 $0x1BF5;
	[smem:$0x3FBB] =	sst s0  }
0x18: {  	s0 =	sld [smem:$0x3F9E];
	_ =	swait.ge [sflag:s4], $0x0  }
0x19: {  	s7 =	sld [smem:$0x3F9F]  }
0x1a: {  	s8 =	sadd.s32 $0xFFFFE003, lr  }
0x1b: {  	s9 =	sadd.s32 $0xFFFFFEF7, lr;
	s5 =	simm.s32 $0xFFFFFFFF;
	p2 =	slt.u32 s8, $0xFFFFF086  }
0x1c: {  	p1 =	slt.u32 s9, $0xF7A;
	s5 =	simm.s32 @!p2 $0x0  }
0x1d: {  	s5 =	simm.s32 @p1 $0x1;
	p0 =	seq.s32 s7, s2  }
0x1e: {  	s7 =	smul.u32 @!p0 $0xF7A, s2;
	p2 =	seq.s32 @!p0 s5, $0x0  }
0x1f: {  	s9 =	smul.u32 $0xF7A, s1;
	s8 =	simm.s32 @!p0 $0x1BF5;
	p2 =	por !p2, p0  }
0x20: {  	[sflag:s8] =	ssyncset.s32 @!p0 $0xFFFFF086;
	s6 =	sadd.s32 @!p0 s3, s7;
	s7 =	simm.s32 @!p0 $0x108  }
0x21: {  	s3 =	sadd.s32 s3, s9;
	s6 =	sadd.s32 @!p0 $0x88, s6;
	s7 =	simm.s32 @p2 $0x1082  }
0x22: {  	[simem:s7], [sflag:s8] =	dma.local @!p0 [hbm:s6], $0xF7A  }
0x23: {  	s9 =	sor.u32 $0xD0000000, s2;
	s6 =	simm.s32 $0x108;
	_ =	swait.ge @!p0 [sflag:s8], $0x0  }
0x24: {  	s3 =	sadd.s32 $0x88, s3;
	s6 =	simm.s32 @!p1 $0x1082;
	[sflag:s4] =	ssyncset.s32 $0xFFFFF086  }
0x25: {  	[simem:s6], [sflag:s4] =	dma.local [hbm:s3], $0xF7A  }
0x26: {  	[smem:$0x3F9F] =	sst s1;
	(tag) =	ssettag s2;
	_ =	strace s9  }
0x27: {  	s1 =	sld [smem:$0x3FAF]  }
0x28: {  	s2 =	sld [smem:$0x3FB0]  }
0x29: {  	s4 =	sld [smem:$0x3FB2]  }
0x2a: {  	p0 =	seq.s32 s5, $0x0;
	s5 =	sld [smem:$0x3FB3]  }
0x2b: {  	s6 =	sld [smem:$0x3FB4]  }
0x2c: {  	s7 =	sld [smem:$0x3FB5]  }
0x2d: {  	s3 =	simm.s32 $0x108;
	s8 =	sld [smem:$0x3FB6]  }
0x2e: {  	s3 =	simm.s32 @!p0 $0x1082;
	s9 =	sld [smem:$0x3FB7]  }
0x2f: {  	lr =	sadd.s32 s0, s3;
	s0 =	sld [smem:$0x3FAE]  }
0x30: {  	s3 =	sld [smem:$0x3FB1]  }
0x31: {  	[smem:$0x3FBA] =	sst s10  }
0x32: {  	s10 =	sld [smem:$0x3FB8];
	_ =	sdelay $0x3  }
0x33: {  	p0 =	seq.s32 s10, $0x1;
	s10 =	sld [smem:$0x3FBA];
	_ =	sdelay $0x3  }
0x34: {  	[smem:$0x3FBA] =	sst s10  }
0x35: {  	s10 =	sld [smem:$0x3FB9];
	_ =	sdelay $0x3  }
0x36: {  	p1 =	seq.s32 s10, $0x1;
	s10 =	sld [smem:$0x3FBA];
	_ =	sdelay $0x3  }
0x37: {  	[smem:$0x3FBA] =	sst s10  }
0x38: {  	s10 =	sld [smem:$0x3FBB]  }
0x39: {  	_ = 	snop;
	(pc) =	sbr.ind lr, $3  }
0x3a: {  	_ = 	snop  }
0x3b: {  	_ = 	snop  }
0x3c: {  	p2 =	seq.s32 s10, $0x1;
	s10 =	sld [smem:$0x3FBA]  }
0x3d: {  	_ =	shalt  }
0x3e: {  	_ =	shalt  }
0x3f: {  	_ =	shalt  }
0x40: {  	_ =	shalt  }
0x41: {  	_ =	shalt  }
0x42: {  	_ =	shalt  }
0x43: {  	_ =	shalt  }
0x44: {  	_ =	shalt  }
0x45: {  	_ =	shalt  }
0x46: {  	_ =	shalt  }
0x47: {  	_ =	shalt  }
0x48: {  	_ =	shalt  }
0x49: {  	_ =	shalt  }
0x4a: {  	_ =	shalt  }
0x4b: {  	_ =	shalt  }
0x4c: {  	_ =	shalt  }
0x4d: {  	_ =	shalt  }
0x4e: {  	_ =	shalt  }
0x4f: {  	_ =	shalt  }
0x50: {  	_ =	shalt  }
0x51: {  	_ =	shalt  }
0x52: {  	_ =	shalt  }
0x53: {  	_ =	shalt  }
0x54: {  	_ =	shalt  }
0x55: {  	_ =	shalt  }
0x56: {  	_ =	shalt  }
0x57: {  	_ =	shalt  }
0x58: {  	_ =	shalt  }
0x59: {  	_ =	shalt  }
0x5a: {  	_ =	shalt  }
0x5b: {  	_ =	shalt  }
0x5c: {  	_ =	shalt  }
0x5d: {  	_ =	shalt  }
0x5e: {  	_ =	shalt  }
0x5f: {  	_ =	shalt  }
0x60: {  	_ =	shalt  }
0x61: {  	_ =	shalt  }
0x62: {  	_ =	shalt  }
0x63: {  	_ =	shalt  }
0x64: {  	_ =	shalt  }
0x65: {  	_ =	shalt  }
0x66: {  	_ =	shalt  }
0x67: {  	_ =	shalt  }
0x68: {  	_ =	shalt  }
0x69: {  	_ =	shalt  }
0x6a: {  	_ =	shalt  }
0x6b: {  	_ =	shalt  }
0x6c: {  	_ =	shalt  }
0x6d: {  	_ =	shalt  }
0x6e: {  	_ =	shalt  }
0x6f: {  	_ =	shalt  }
0x70: {  	_ =	shalt  }
0x71: {  	_ =	shalt  }
0x72: {  	_ =	shalt  }
0x73: {  	_ =	shalt  }
0x74: {  	_ =	shalt  }
0x75: {  	_ =	shalt  }
0x76: {  	_ =	shalt  }
0x77: {  	_ =	shalt  }
0x78: {  	_ =	shalt  }
0x79: {  	_ =	shalt  }
0x7a: {  	_ =	shalt  }
0x7b: {  	_ =	shalt  }
0x7c: {  	_ =	shalt  }
0x7d: {  	_ =	shalt  }
0x7e: {  	_ =	shalt  }
0x7f: {  	_ =	shalt  }
0x80: {  	_ =	shalt  }
0x81: {  	_ =	shalt  }
0x82: {  	_ =	shalt  }
0x83: {  	_ =	shalt  }
0x84: {  	_ =	shalt  }
0x85: {  	_ =	shalt  }
0x86: {  	_ =	shalt  }
0x87: {  	_ =	shalt  }
.Lfunc_end0:
.L_simem_size_0:
called_computation_lowered:
.L_overlay_start_0:
0x88: {  	s2 =	sld [smem:$0x3FD9]  }
0x89: {  	s3 =	sld [smem:$0x3FFE];
	_ =	sdelay $0x1  }
0x8a: {  	s1 =	srdreg.scid  }
0x8b: {  	s0 =	sand.u32 $0x1, s1  }
0x8c: {  	s16 =	sshll.u32 s0, $0xA;
	s2 =	sadd.s32 s3, s2  }
0x8d: {  	s2 =	sadd.s32 s2, s16  }
0x8e: {  	[smem:$0x3FC6] =	sst s2  }
0x8f: {  	_ = 	snop  }
0x90: {  	(tm) =	ssettm $0x1  }
0x91: {  	s17 =	sld [smem:$0x3FFB];
	_ =	sdelay $0x3  }
0x92: {  	_ =	strace s17  }
0x93: {  	s2 =	sld [smem:$0x3FFC];
	_ =	sdelay $0x3  }
0x94: {  	_ =	strace s2  }
0x95: {  	s2 =	sld [smem:$0x3FFD];
	_ =	sdelay $0x3  }
0x96: {  	_ =	strace s2  }
0x97: {  	_ =	strace $0x8FFFFFFF  }
0x98: {  	s18 =	sld [smem:$0x3FDB];
	_ =	sdelay $0x1  }
0x99: {  	s19 =	simm.s32 $_scs_section_size  }
0x9a: {  	s4 =	simm.s32 $_size__tile_overlayer_lowered;
	s5 =	simm.s32 $_tile_overlayer_lowered  }
0x9b: {  	s22 =	simm.s32 $0x1BFF;
	s21 =	sshll.u32 s5, $0x1;
	s2 =	sadd.s32 s19, s18  }
0x9c: {  	s6 =	simm.s32 $0x0;
	s20 =	sshll.u32 s4, $0x1;
	s4 =	sadd.s32 s21, s2  }
0x9d: {  	[timem:s6], [sflag:s22] =	dma.local [hbm:s4], s20  }
0x9e: {  	_ =	swait.ge [sflag:s22], s20  }
0x9f: {  	s3 =	ssub.s32 $0x0, s20;
	[sflag:s22] =	ssyncset.done $0x0  }
0xa0: {  	[sflag:s22] =	ssyncadd.s32 s3;
	_ =	sdelay $0x1  }
0xa1: {  	s23 =	simm.s32 $0x1B8B  }
0xa2: {  	_ =	swait.ge [sflag:s23], $0x1  }
0xa3: {  	[sflag:s23] =	ssyncset.done $0x0  }
0xa4: {  	s25 =	simm.s32 $0x1B8E;
	s24 =	sld [smem:$0x3FFE];
	[sflag:s23] =	ssyncadd.s32 $0xFFFFFFFF  }
0xa5: {  	s26 =	simm.s32 $execute0_lowered;
	[smem:$0x3FD2] =	sst s25  }
0xa6: {  	s4 =	sshll.u32 s26, $0x1;
	_ =	strace $0x80000046;
	[dreg:$0x1] =	wrdreg $0xFFFFFFFF  }
0xa7: {  	s28 =	simm.s32 $_size_execute0_lowered;
	s2 =	sadd.s32 s2, s4;
	[dreg:$0x0] =	wrdreg $0x0  }
0xa8: {  	s4 =	sshll.u32 s28, $0x1;
	[dreg:$0x2] =	wrdreg s2  }
0xa9: {  	[dreg:$0x3] =	wrdreg s4  }
0xaa: {  	[dreg:$0x4] =	wrdreg $0xC0  }
0xab: {  	_ =	task [dreg:s6], $0x5FFFF  }
0xac: {  	[dreg:$0x1] =	wrdreg $0xFFFFFFFF  }
0xad: {  	[dreg:$0x0] =	wrdreg $0x60  }
0xae: {  	[dreg:$0x2] =	wrdreg s24  }
0xaf: {  	[dreg:$0x3] =	wrdreg $0x9  }
0xb0: {  	_ =	task.clear_ibuf [dreg:s6], $0x4FFFF;
	_ =	strace $0x90000046  }
0xb1: {  	s29 =	simm.s32 $0x9;
	_ =	strace $0x80000048  }
0xb2: {  	_ =	swait.ge [sflag:s29], $0x1  }
0xb3: {  	[sflag:s29] =	ssyncadd.s32 $0xFFFFFFFF  }
0xb4: {  	_ =	strace $0x90000048  }
0xb5: {  	_ =	sfence  }
0xb6: {  	s30 =	sld [smem:$0x0];
	_ =	sdelay $0x2  }
0xb7: {  	s31 =	sshll.u32 s1, $0xD;
	s1 =	sshrl.u32 s1, $0x2  }
0xb8: {  	s3 =	sand.u32 $0x4000, s31;
	s1 =	sadd.s32 s1, s30  }
0xb9: {  	s0 =	sor.u32 s3, s0;
	s1 =	sshll.u32 s1, $0x11  }
0xba: {  	s0 =	sor.u32 s1, s0  }
0xbb: {  	s0 =	sadd.s32 $0x8F2B, s0  }
0xbc: {  	[sflag:s0] =	ssyncadd.remote.s32 $0x1  }
0xbd: {  	_ =	sfence.sel $0xFFFF  }
0xbe: {  	[dreg:$0x0] =	wrdreg $0xFFFFFFFF;
	(pc) =	sbr.abs _section_cstart, $3  }
0xbf: {  	[dreg:$0x1] =	wrdreg $0xFFFFFFFF  }
0xc0: {  	_ =	task.clear_ibuf [dreg:s6], $0x2FFFF;
	_ =	strace $0x9FFFFFFF  }
0xc1: {  	(tm) =	ssettm $0x7FFFFFFF  }
tec
execute0_lowered:
.L_overlay_start_1:
0x0: {  	(tag) =	ssettag $0x1  }
0x1: {  	s8 =	rddreg [dreg:$0x0];
	s2 =	srdreg.scid  }
0x2: {  	s0 =	rddreg [dreg:$0x1];
	s1 =	stileid.u32;
	s14 =	sand.u32 $0x1, s2  }
0x3: {  	s2 =	simm.s32 $0x0;
	s3 =	sshll.u32 s1, $0x7;
	s4 =	sshll.u32 s14, $0x6  }
0x4: {  	s13 =	sadd.s32 $0x600, s8;
	[smem:$0x7FF] =	sst s2;
	s15 =	sor.u32 s4, s3  }
0x5: {  	_ =	strace $0x80000047;
	s3 =	simm.s32 $0x2;
	s4 =	sadd.s32 s13, s15  }
0x6: {  	[tilespmem:s2], [sflag:$0x2] =	stream.linear.gather [hbm4b:s4+s2], $0x80, $0x38;
	[tilespmem:$0x100] =	vst v63  }
0x7: {  	_ =	swait.ge [sflag:s3], $0x80  }
0x8: {  	s6 =	simm.s32 $0x80;
	[sflag:s3] =	ssyncset.done $0x0  }
0x9: {  	s7 =	simm.s32 $0x1;
	s5 =	sadd.s32 $0x200E00, s8;
	[sflag:s3] =	ssyncadd.s32 $0xFFFFFF80  }
0xa: {  	[tilespmem:s6], [sflag:$0x1] =	stream.indirect.gather [hbm4b:s5+s6], $0x1, s2, s6, $0xb8;
	[tilespmem:$0x100] =	vst v63  }
0xb: {  	_ =	swait.ge [sflag:s7], $0x80  }
0xc: {  	s16 =	sadd.s32 $0x3F4E00, s8;
	[sflag:s7] =	ssyncset.done $0x0  }
0xd: {  	s8 =	sadd.s32 s16, s15;
	[sflag:s7] =	ssyncadd.s32 $0xFFFFFF80  }
0xe: {  	[hbm4b:s8+s2] =	stream.linear.scatter [tilespmem:s6], [sflag:$0x2], $0x80, $0x38;
	[tilespmem:$0x100] =	vst v63  }
0xf: {  	_ =	swait.ge [sflag:s3], $0x80  }
0x10: {  	s10 =	sor.u32 $0x10, s15;
	[sflag:s3] =	ssyncset.done $0x0  }
0x11: {  	s9 =	sadd.s32 s13, s10;
	[sflag:s3] =	ssyncadd.s32 $0xFFFFFF80  }
0x12: {  	[tilespmem:s2], [sflag:$0x2] =	stream.linear.gather [hbm4b:s9+s2], $0x80, $0x38;
	[tilespmem:$0x100] =	vst v63  }
0x13: {  	_ =	swait.ge [sflag:s3], $0x80  }
0x14: {  	[sflag:s3] =	ssyncset.done $0x0  }
0x15: {  	[sflag:s3] =	ssyncadd.s32 $0xFFFFFF80  }
0x16: {  	[tilespmem:s6], [sflag:$0x1] =	stream.indirect.gather [hbm4b:s5+s6], $0x1, s2, s6, $0xb8;
	[tilespmem:$0x100] =	vst v63  }
0x17: {  	_ =	swait.ge [sflag:s7], $0x80  }
0x18: {  	[sflag:s7] =	ssyncset.done $0x0  }
0x19: {  	s10 =	sadd.s32 s16, s10;
	[sflag:s7] =	ssyncadd.s32 $0xFFFFFF80  }
0x1a: {  	[hbm4b:s10+s2] =	stream.linear.scatter [tilespmem:s6], [sflag:$0x2], $0x80, $0x38;
	[tilespmem:$0x100] =	vst v63  }
0x1b: {  	_ =	swait.ge [sflag:s3], $0x80  }
0x1c: {  	s12 =	sor.u32 $0x20, s15;
	[sflag:s3] =	ssyncset.done $0x0  }
0x1d: {  	s11 =	sadd.s32 s13, s12;
	[sflag:s3] =	ssyncadd.s32 $0xFFFFFF80  }
0x1e: {  	[tilespmem:s2], [sflag:$0x2] =	stream.linear.gather [hbm4b:s11+s2], $0x80, $0x38;
	[tilespmem:$0x100] =	vst v63  }
0x1f: {  	_ =	swait.ge [sflag:s3], $0x80  }
0x20: {  	[sflag:s3] =	ssyncset.done $0x0  }
0x21: {  	[sflag:s3] =	ssyncadd.s32 $0xFFFFFF80  }
0x22: {  	[tilespmem:s6], [sflag:$0x1] =	stream.indirect.gather [hbm4b:s5+s6], $0x1, s2, s6, $0xb8;
	[tilespmem:$0x100] =	vst v63  }
0x23: {  	_ =	swait.ge [sflag:s7], $0x80  }
0x24: {  	[sflag:s7] =	ssyncset.done $0x0  }
0x25: {  	s12 =	sadd.s32 s16, s12;
	[sflag:s7] =	ssyncadd.s32 $0xFFFFFF80  }
0x26: {  	[hbm4b:s12+s2] =	stream.linear.scatter [tilespmem:s6], [sflag:$0x2], $0x80, $0x38;
	[tilespmem:$0x100] =	vst v63  }
0x27: {  	_ =	swait.ge [sflag:s3], $0x80  }
0x28: {  	s15 =	sor.u32 $0x30, s15;
	[sflag:s3] =	ssyncset.done $0x0  }
0x29: {  	s14 =	ssub.s32 $0x2, s14;
	s13 =	sadd.s32 s13, s15;
	[sflag:s3] =	ssyncadd.s32 $0xFFFFFF80  }
0x2a: {  	[tilespmem:s2], [sflag:$0x2] =	stream.linear.gather [hbm4b:s13+s2], $0x80, $0x38;
	[tilespmem:$0x100] =	vst v63  }
0x2b: {  	s17 =	sshrl.u32 s14, $0x1;
	_ =	swait.ge [sflag:s3], $0x80  }
0x2c: {  	s17 =	ssub.s32 s14, s17;
	[sflag:s3] =	ssyncset.done $0x0  }
0x2d: {  	s31 =	smax.u32 s17, $0x1;
	[sflag:s3] =	ssyncadd.s32 $0xFFFFFF80  }
0x2e: {  	[tilespmem:s6], [sflag:$0x1] =	stream.indirect.gather [hbm4b:s5+s6], $0x1, s2, s6, $0xb8;
	[tilespmem:$0x100] =	vst v63  }
0x2f: {  	p0 =	sne.s32 s31, $0x1;
	_ =	swait.ge [sflag:s7], $0x80  }
.Ltmp0:
0x30: {  	[sflag:s7] =	ssyncset.done $0x0;
	(pc) =	sbr.rel @!p0 .LBB2_2-.Ltmp0, $4  }
0x31: {  	s14 =	sadd.s32 s16, s15;
	[sflag:s7] =	ssyncadd.s32 $0xFFFFFF80  }
0x32: {  	[hbm4b:s14+s2] =	stream.linear.scatter [tilespmem:s6], [sflag:$0x2], $0x80, $0x38;
	[tilespmem:$0x100] =	vst v63  }
0x33: {  	_ =	swait.ge [sflag:s3], $0x80  }
0x34: {  	s15 =	sadd.s32 $0xFFFFFFFF, s31;
	[sflag:s3] =	ssyncset.done $0x0  }
.LBB2_1:
0x35: {  	p0 =	sne.s32 s15, $0x1;
	s15 =	sadd.s32 $0xFFFFFFFF, s15;
	[sflag:s3] =	ssyncadd.s32 $0xFFFFFF80  }
0x36: {  	[tilespmem:s2], [sflag:$0x2] =	stream.linear.gather [hbm4b:s4+s2], $0x80, $0x38;
	[tilespmem:$0x100] =	vst v63  }
0x37: {  	_ =	swait.ge [sflag:s3], $0x80  }
0x38: {  	[sflag:s3] =	ssyncset.done $0x0  }
0x39: {  	[sflag:s3] =	ssyncadd.s32 $0xFFFFFF80  }
0x3a: {  	[tilespmem:s6], [sflag:$0x1] =	stream.indirect.gather [hbm4b:s5+s6], $0x1, s2, s6, $0xb8;
	[tilespmem:$0x100] =	vst v63  }
0x3b: {  	_ =	swait.ge [sflag:s7], $0x80  }
0x3c: {  	[sflag:s7] =	ssyncset.done $0x0  }
0x3d: {  	[sflag:s7] =	ssyncadd.s32 $0xFFFFFF80  }
0x3e: {  	[hbm4b:s8+s2] =	stream.linear.scatter [tilespmem:s6], [sflag:$0x2], $0x80, $0x38;
	[tilespmem:$0x100] =	vst v63  }
0x3f: {  	_ =	swait.ge [sflag:s3], $0x80  }
0x40: {  	[sflag:s3] =	ssyncset.done $0x0  }
0x41: {  	[sflag:s3] =	ssyncadd.s32 $0xFFFFFF80  }
0x42: {  	[tilespmem:s2], [sflag:$0x2] =	stream.linear.gather [hbm4b:s9+s2], $0x80, $0x38;
	[tilespmem:$0x100] =	vst v63  }
0x43: {  	_ =	swait.ge [sflag:s3], $0x80  }
0x44: {  	[sflag:s3] =	ssyncset.done $0x0  }
0x45: {  	[sflag:s3] =	ssyncadd.s32 $0xFFFFFF80  }
0x46: {  	[tilespmem:s6], [sflag:$0x1] =	stream.indirect.gather [hbm4b:s5+s6], $0x1, s2, s6, $0xb8;
	[tilespmem:$0x100] =	vst v63  }
0x47: {  	_ =	swait.ge [sflag:s7], $0x80  }
0x48: {  	[sflag:s7] =	ssyncset.done $0x0  }
0x49: {  	[sflag:s7] =	ssyncadd.s32 $0xFFFFFF80  }
0x4a: {  	[hbm4b:s10+s2] =	stream.linear.scatter [tilespmem:s6], [sflag:$0x2], $0x80, $0x38;
	[tilespmem:$0x100] =	vst v63  }
0x4b: {  	_ =	swait.ge [sflag:s3], $0x80  }
0x4c: {  	[sflag:s3] =	ssyncset.done $0x0  }
0x4d: {  	[sflag:s3] =	ssyncadd.s32 $0xFFFFFF80  }
0x4e: {  	[tilespmem:s2], [sflag:$0x2] =	stream.linear.gather [hbm4b:s11+s2], $0x80, $0x38;
	[tilespmem:$0x100] =	vst v63  }
0x4f: {  	_ =	swait.ge [sflag:s3], $0x80  }
0x50: {  	[sflag:s3] =	ssyncset.done $0x0  }
0x51: {  	[sflag:s3] =	ssyncadd.s32 $0xFFFFFF80  }
0x52: {  	[tilespmem:s6], [sflag:$0x1] =	stream.indirect.gather [hbm4b:s5+s6], $0x1, s2, s6, $0xb8;
	[tilespmem:$0x100] =	vst v63  }
0x53: {  	_ =	swait.ge [sflag:s7], $0x80  }
0x54: {  	[sflag:s7] =	ssyncset.done $0x0  }
0x55: {  	[sflag:s7] =	ssyncadd.s32 $0xFFFFFF80  }
0x56: {  	[hbm4b:s12+s2] =	stream.linear.scatter [tilespmem:s6], [sflag:$0x2], $0x80, $0x38;
	[tilespmem:$0x100] =	vst v63  }
0x57: {  	_ =	swait.ge [sflag:s3], $0x80  }
0x58: {  	[sflag:s3] =	ssyncset.done $0x0  }
0x59: {  	[sflag:s3] =	ssyncadd.s32 $0xFFFFFF80  }
0x5a: {  	[tilespmem:s2], [sflag:$0x2] =	stream.linear.gather [hbm4b:s13+s2], $0x80, $0x38;
	[tilespmem:$0x100] =	vst v63  }
0x5b: {  	_ =	swait.ge [sflag:s3], $0x80  }
0x5c: {  	[sflag:s3] =	ssyncset.done $0x0  }
0x5d: {  	[sflag:s3] =	ssyncadd.s32 $0xFFFFFF80  }
0x5e: {  	[tilespmem:s6], [sflag:$0x1] =	stream.indirect.gather [hbm4b:s5+s6], $0x1, s2, s6, $0xb8;
	[tilespmem:$0x100] =	vst v63  }
0x5f: {  	_ =	swait.ge [sflag:s7], $0x80  }
.Ltmp1:
0x60: {  	[sflag:s7] =	ssyncset.done $0x0;
	(pc) =	sbr.rel @p0 .LBB2_1-.Ltmp1, $4  }
0x61: {  	[sflag:s7] =	ssyncadd.s32 $0xFFFFFF80  }
0x62: {  	[hbm4b:s14+s2] =	stream.linear.scatter [tilespmem:s6], [sflag:$0x2], $0x80, $0x38;
	[tilespmem:$0x100] =	vst v63  }
0x63: {  	_ =	swait.ge [sflag:s3], $0x80  }
0x64: {  	[sflag:s3] =	ssyncset.done $0x0  }
.LBB2_2:
0x65: {  	[sflag:s3] =	ssyncadd.s32 $0xFFFFFF80  }
0x66: {  	_ =	sfence.sel $0x180000  }
0x67: {  	[bflag:$0x0] =	sbarrier.arrive $0xFFFF  }
0x68: {  	p0 =	sne.s32 s1, $0x0;
	_ =	strace $0x90000047  }
0x69: {  	s0 =	sadd.s32 @!p0 $0x100000, s0;
	[bflag:$0x2] =	sbarrier.arrive $0xFFFF  }
0x6a: {  	[sflag:s0] =	ssyncadd.tile.s32 @!p0 $0x1;
	_ =	shalt  }
.Lfunc_end2:
_tile_overlayer_lowered:
.L_overlay_start_2:
0x6b: {  	(tag) =	ssettag $0x2  }
0x6c: {  	s0 =	rddreg [dreg:$0x0];
	s2 =	stileid.u32  }
0x6d: {  	s1 =	rddreg [dreg:$0x1];
	p0 =	sne.s32 s2, $0x0  }
0x6e: {  	s3 =	rddreg [dreg:$0x2];
	[bflag:$0x3] =	sbarrier.arrive $0xFFFF;
	s2 =	simm.s32 @!p0 $0x1C02  }
0x6f: {  	[timem:s3], [sflag:s2] =	dma.local @!p0 [hbm:s0], s1  }
0x70: {  	s0 =	simm.s32 @!p0 $0x2  }
0x71: {  	_ =	swait.ge @!p0 [sflag:s0], s1  }
0x72: {  	s1 =	ssub.s32 @!p0 $0x0, s1;
	[sflag:s0] =	ssyncset.done @!p0 $0x0  }
0x73: {  	[sflag:s0] =	ssyncadd.s32 @!p0 s1  }
0x74: {  	[bflag:$0x3] =	sbarrier.arrive $0xFFFF  }
0x75: {  	_ =	shalt  }

</sc_bundles>
